<compile_context>
chip_gen: v7x
topology: tpu7x:2x2x1
jax: 0.10.2.dev20260603
libtpu: 0.0.44.dev20260713+nightly
codegen_flags: <defaults>
</compile_context>

<pallas_src>
import functools

import jax
import jax.numpy as jnp
from jax import lax
from jax.experimental import pallas as pl
from jax.experimental.pallas import tpu as pltpu
from jax.experimental.pallas import tpu_sc as plsc

D = 64
VOCAB_HALF = 500000
SCALE = 8.0
B_TOTAL = 4096 * 200
NC, NS, L = 2, 16, 16
NW = NC * NS
B_PER_W = B_TOTAL // NW

NBUF = 4
CHUNK = 256
IDX_PER_STREAM = 128
NSTREAM = CHUNK // IDX_PER_STREAM
N_CHUNKS = B_PER_W // CHUNK

_mesh = plsc.VectorSubcoreMesh(core_axis_name="c", subcore_axis_name="s")


@functools.partial(
    pl.kernel,
    mesh=_mesh,
    out_type=jax.ShapeDtypeStruct((B_TOTAL, D), jnp.float32),
    scratch_types=[
        pltpu.VMEM((B_PER_W,), jnp.int32),
        pltpu.VMEM((NBUF, CHUNK, D), jnp.float32),
        pltpu.SemaphoreType.DMA((NBUF,)),
        pltpu.SemaphoreType.DMA((NBUF,)),
    ],
    compiler_params=pltpu.CompilerParams(use_tc_tiling_on_sc=False),
)
def _emb_lookup(x_hbm, table_hbm, out_hbm, idx_v, rows_v, gsem, osem):
    wid = lax.axis_index("s") * NC + lax.axis_index("c")
    base = wid * B_PER_W
    pltpu.sync_copy(x_hbm.at[pl.ds(base, B_PER_W)], idx_v)

    def fire_gather(c, b):
        for s in range(NSTREAM):
            idx_sl = idx_v.at[pl.ds(c * CHUNK + s * IDX_PER_STREAM, IDX_PER_STREAM)]
            dst = rows_v.at[b].at[pl.ds(s * IDX_PER_STREAM, IDX_PER_STREAM)]
            pltpu.async_copy(table_hbm.at[idx_sl], dst, gsem.at[b])

    def wait_gather(b):
        pltpu.make_async_copy(
            out_hbm.at[pl.ds(0, CHUNK)], rows_v.at[b], gsem.at[b]
        ).wait()

    def fire_scatter(c, b):
        pltpu.async_copy(
            rows_v.at[b], out_hbm.at[pl.ds(base + c * CHUNK, CHUNK)], osem.at[b]
        )

    def wait_scatter(b):
        pltpu.make_async_copy(
            out_hbm.at[pl.ds(0, CHUNK)], rows_v.at[b], osem.at[b]
        ).wait()

    def scale_buf(b):
        def row_body(i, _):
            for r in range(2):
                for j in range(D // L):
                    sl = pl.ds(j * L, L)
                    rows_v[b, i * 2 + r, sl] = rows_v[b, i * 2 + r, sl] * SCALE
            return 0

        lax.fori_loop(0, CHUNK // 2, row_body, 0)

    for c in range(NBUF - 1):
        fire_gather(c, c)

    def outer(g, _):
        for b in range(NBUF):
            c = g * NBUF + b
            cf = c + NBUF - 1
            bf = (b + NBUF - 1) % NBUF

            @pl.when(cf < N_CHUNKS)
            def _():
                @pl.when(c >= 1)
                def _():
                    wait_scatter(bf)

                fire_gather(cf, bf)

            wait_gather(b)
            scale_buf(b)
            fire_scatter(c, b)
        return 0

    lax.fori_loop(0, N_CHUNKS // NBUF, outer, 0)
    for b in range(NBUF):
        wait_scatter(b)


def kernel(x, table):
    out = _emb_lookup(x.reshape(B_TOTAL), table)
    return jnp.reshape(out, (4096, 200, D))

# --- scband reference (transcript-rebuilt; emitter-appended) ---
"""Pipeline reference for scband-embedding-64922725646378 (READ-ONLY COPY).

The authoritative reference and input builder live on the scoring server;
editing this copy changes nothing except your own understanding.
"""

import jax, jax.numpy as jnp
import numpy as np

VOCAB = 1000000
D_MODEL = 64
PADDING_IDX = 0
SCALE = D_MODEL ** 0.5


def setup_inputs(seed: int = 0) -> dict:
    key = jax.random.key(seed)
    k1, k2 = jax.random.split(key)
    table = jax.random.normal(k1, (VOCAB, D_MODEL), dtype=jnp.float32)
    # torch nn.Embedding zeroes the padding_idx row at init
    table = table.at[PADDING_IDX].set(0.0)
    x = jax.random.randint(k2, (4096, 200), 0, VOCAB, dtype=jnp.int32)
    return {"x": x, "table": table}


def reference(x, table):
    # gather rows from the embedding table, then scale by sqrt(d_model)
    emb = jnp.take(table, x, axis=0)
    return emb * SCALE

if __name__ == "__main__":
    import jax
    _d = setup_inputs()
    print(jax.jit(kernel)(*tuple(_d.values())))

</pallas_src>

<mosaic_0001>
#map = affine_map<(d0, d1) -> (0)>
#map1 = affine_map<(d0, d1) -> (0, 0)>
module attributes {stable_mosaic.version = 14 : i64} {
  func.func @_emb_lookup(%arg0: i32, %arg1: i32, %arg2: memref<819200xi32, #tpu.memory_space<hbm>>, %arg3: memref<1000000x64xf32, #tpu.memory_space<hbm>>, %arg4: memref<819200x64xf32, #tpu.memory_space<hbm>>, %arg5: memref<25600xi32, #tpu.memory_space<vmem>>, %arg6: memref<4x256x64xf32, #tpu.memory_space<vmem>>, %arg7: memref<4x!tpu.dma_semaphore, #tpu.memory_space<semaphore_mem>>, %arg8: memref<4x!tpu.dma_semaphore, #tpu.memory_space<semaphore_mem>>) attributes {dimension_semantics = [#tpu.dimension_semantics<core_parallel>, #tpu.dimension_semantics<subcore_parallel>], iteration_bounds = array<i64: 2, 16>, scalar_prefetch = 0 : i64, scratch_operands = 4 : i64, tpu.core_type = #tpu.core_type<sc_vector_subcore>, window_params = [{transform_indices = #map}, {transform_indices = #map1}, {transform_indices = #map1}]} {
    %mul3A = arith.constant 2 : i32
    %mul3A_0 = arith.muli %arg1, %mul3A : i32
    %add3A = arith.addi %mul3A_0, %arg0 : i32
    %mul3A_1 = arith.constant 25600 : i32
    %mul3A_2 = arith.muli %add3A, %mul3A_1 : i32
    "tpu.region"() ({
      %run_scoped3A = tpu.sem_alloc : memref<!tpu.dma_semaphore, #tpu.memory_space<semaphore_mem>>
      %dma_start3A_175 = tpu.memref_slice %arg2[%mul3A_2] : memref<819200xi32, #tpu.memory_space<hbm>> -> memref<25600xi32, #tpu.memory_space<hbm>>
      %dma_start3A_176 = tpu.memref_slice %arg2[%mul3A_2] : memref<819200xi32, #tpu.memory_space<hbm>> -> memref<25600xi32, #tpu.memory_space<hbm>>
      tpu.enqueue_dma source(%dma_start3A_176 : memref<25600xi32, #tpu.memory_space<hbm>>) target(%arg5 : memref<25600xi32, #tpu.memory_space<vmem>>) target_semaphore(%run_scoped3A : memref<!tpu.dma_semaphore, #tpu.memory_space<semaphore_mem>>)
      %dma_wait3A_177 = tpu.memref_slice %arg2[%mul3A_2] : memref<819200xi32, #tpu.memory_space<hbm>> -> memref<25600xi32, #tpu.memory_space<hbm>>
      %dma_wait3A_178 = tpu.memref_slice %arg2[%mul3A_2] : memref<819200xi32, #tpu.memory_space<hbm>> -> memref<25600xi32, #tpu.memory_space<hbm>>
      tpu.wait_dma2 semaphore(%run_scoped3A : memref<!tpu.dma_semaphore, #tpu.memory_space<semaphore_mem>>) src(%dma_wait3A_178 : memref<25600xi32, #tpu.memory_space<hbm>>) dst(%arg5 : memref<25600xi32, #tpu.memory_space<vmem>>)
      tpu.yield
    }) : () -> ()
    %dma_start3A = arith.constant 0 : i32
    %dma_start3A_3 = arith.constant 0 : i32
    %dma_start3A_4 = arith.constant 0 : i32
    %dma_start3A_5 = arith.constant 0 : i32
    %dma_start3A_6 = tpu.memref_slice %arg6[%dma_start3A, %dma_start3A_4, %dma_start3A_5] : memref<4x256x64xf32, #tpu.memory_space<vmem>> -> memref<1x256x64xf32, #tpu.memory_space<vmem>>
    %dma_start3A_7 = tpu.memref_squeeze %dma_start3A_6 : memref<1x256x64xf32, #tpu.memory_space<vmem>> -> memref<256x64xf32, #tpu.memory_space<vmem>>
    %dma_start3A_8 = arith.constant 0 : i32
    %dma_start3A_9 = arith.constant 0 : i32
    %dma_start3A_10 = tpu.memref_slice %dma_start3A_7[%dma_start3A_8, %dma_start3A_9] : memref<256x64xf32, #tpu.memory_space<vmem>> -> memref<128x64xf32, #tpu.memory_space<vmem>>
    %dma_start3A_11 = arith.constant 0 : i32
    %dma_start3A_12 = tpu.memref_slice %arg5[%dma_start3A_11] : memref<25600xi32, #tpu.memory_space<vmem>> -> memref<128xi32, #tpu.memory_space<vmem>>
    %dma_start3A_13 = arith.constant 0 : i32
    %dma_start3A_14 = arith.constant 0 : i32
    %dma_start3A_15 = tpu.memref_slice %arg3[%dma_start3A_13, %dma_start3A_14] : memref<1000000x64xf32, #tpu.memory_space<hbm>> -> memref<1000000x64xf32, #tpu.memory_space<hbm>>
    %dma_start3A_16 = tpu.memref_slice %arg7[%dma_start3A_3] : memref<4x!tpu.dma_semaphore, #tpu.memory_space<semaphore_mem>> -> memref<1x!tpu.dma_semaphore, #tpu.memory_space<semaphore_mem>>
    %dma_start3A_17 = tpu.memref_squeeze %dma_start3A_16 : memref<1x!tpu.dma_semaphore, #tpu.memory_space<semaphore_mem>> -> memref<!tpu.dma_semaphore, #tpu.memory_space<semaphore_mem>>
    tpu.enqueue_indirect_dma source(%dma_start3A_15 : memref<1000000x64xf32, #tpu.memory_space<hbm>>) target(%dma_start3A_10 : memref<128x64xf32, #tpu.memory_space<vmem>>) offsets(%dma_start3A_12 : memref<128xi32, #tpu.memory_space<vmem>>) semaphore(%dma_start3A_17 : memref<!tpu.dma_semaphore, #tpu.memory_space<semaphore_mem>>)
    %dma_start3A_18 = arith.constant 0 : i32
    %dma_start3A_19 = arith.constant 0 : i32
    %dma_start3A_20 = arith.constant 0 : i32
    %dma_start3A_21 = arith.constant 0 : i32
    %dma_start3A_22 = tpu.memref_slice %arg6[%dma_start3A_18, %dma_start3A_20, %dma_start3A_21] : memref<4x256x64xf32, #tpu.memory_space<vmem>> -> memref<1x256x64xf32, #tpu.memory_space<vmem>>
    %dma_start3A_23 = tpu.memref_squeeze %dma_start3A_22 : memref<1x256x64xf32, #tpu.memory_space<vmem>> -> memref<256x64xf32, #tpu.memory_space<vmem>>
    %dma_start3A_24 = arith.constant 128 : i32
    %dma_start3A_25 = arith.constant 0 : i32
    %dma_start3A_26 = tpu.memref_slice %dma_start3A_23[%dma_start3A_24, %dma_start3A_25] : memref<256x64xf32, #tpu.memory_space<vmem>> -> memref<128x64xf32, #tpu.memory_space<vmem>>
    %dma_start3A_27 = arith.constant 128 : i32
    %dma_start3A_28 = tpu.memref_slice %arg5[%dma_start3A_27] : memref<25600xi32, #tpu.memory_space<vmem>> -> memref<128xi32, #tpu.memory_space<vmem>>
    %dma_start3A_29 = arith.constant 0 : i32
    %dma_start3A_30 = arith.constant 0 : i32
    %dma_start3A_31 = tpu.memref_slice %arg3[%dma_start3A_29, %dma_start3A_30] : memref<1000000x64xf32, #tpu.memory_space<hbm>> -> memref<1000000x64xf32, #tpu.memory_space<hbm>>
    %dma_start3A_32 = tpu.memref_slice %arg7[%dma_start3A_19] : memref<4x!tpu.dma_semaphore, #tpu.memory_space<semaphore_mem>> -> memref<1x!tpu.dma_semaphore, #tpu.memory_space<semaphore_mem>>
    %dma_start3A_33 = tpu.memref_squeeze %dma_start3A_32 : memref<1x!tpu.dma_semaphore, #tpu.memory_space<semaphore_mem>> -> memref<!tpu.dma_semaphore, #tpu.memory_space<semaphore_mem>>
    tpu.enqueue_indirect_dma source(%dma_start3A_31 : memref<1000000x64xf32, #tpu.memory_space<hbm>>) target(%dma_start3A_26 : memref<128x64xf32, #tpu.memory_space<vmem>>) offsets(%dma_start3A_28 : memref<128xi32, #tpu.memory_space<vmem>>) semaphore(%dma_start3A_33 : memref<!tpu.dma_semaphore, #tpu.memory_space<semaphore_mem>>)
    %dma_start3A_34 = arith.constant 1 : i32
    %dma_start3A_35 = arith.constant 1 : i32
    %dma_start3A_36 = arith.constant 0 : i32
    %dma_start3A_37 = arith.constant 0 : i32
    %dma_start3A_38 = tpu.memref_slice %arg6[%dma_start3A_34, %dma_start3A_36, %dma_start3A_37] : memref<4x256x64xf32, #tpu.memory_space<vmem>> -> memref<1x256x64xf32, #tpu.memory_space<vmem>>
    %dma_start3A_39 = tpu.memref_squeeze %dma_start3A_38 : memref<1x256x64xf32, #tpu.memory_space<vmem>> -> memref<256x64xf32, #tpu.memory_space<vmem>>
    %dma_start3A_40 = arith.constant 0 : i32
    %dma_start3A_41 = arith.constant 0 : i32
    %dma_start3A_42 = tpu.memref_slice %dma_start3A_39[%dma_start3A_40, %dma_start3A_41] : memref<256x64xf32, #tpu.memory_space<vmem>> -> memref<128x64xf32, #tpu.memory_space<vmem>>
    %dma_start3A_43 = arith.constant 256 : i32
    %dma_start3A_44 = tpu.memref_slice %arg5[%dma_start3A_43] : memref<25600xi32, #tpu.memory_space<vmem>> -> memref<128xi32, #tpu.memory_space<vmem>>
    %dma_start3A_45 = arith.constant 0 : i32
    %dma_start3A_46 = arith.constant 0 : i32
    %dma_start3A_47 = tpu.memref_slice %arg3[%dma_start3A_45, %dma_start3A_46] : memref<1000000x64xf32, #tpu.memory_space<hbm>> -> memref<1000000x64xf32, #tpu.memory_space<hbm>>
    %dma_start3A_48 = tpu.memref_slice %arg7[%dma_start3A_35] : memref<4x!tpu.dma_semaphore, #tpu.memory_space<semaphore_mem>> -> memref<1x!tpu.dma_semaphore, #tpu.memory_space<semaphore_mem>>
    %dma_start3A_49 = tpu.memref_squeeze %dma_start3A_48 : memref<1x!tpu.dma_semaphore, #tpu.memory_space<semaphore_mem>> -> memref<!tpu.dma_semaphore, #tpu.memory_space<semaphore_mem>>
    tpu.enqueue_indirect_dma source(%dma_start3A_47 : memref<1000000x64xf32, #tpu.memory_space<hbm>>) target(%dma_start3A_42 : memref<128x64xf32, #tpu.memory_space<vmem>>) offsets(%dma_start3A_44 : memref<128xi32, #tpu.memory_space<vmem>>) semaphore(%dma_start3A_49 : memref<!tpu.dma_semaphore, #tpu.memory_space<semaphore_mem>>)
    %dma_start3A_50 = arith.constant 1 : i32
    %dma_start3A_51 = arith.constant 1 : i32
    %dma_start3A_52 = arith.constant 0 : i32
    %dma_start3A_53 = arith.constant 0 : i32
    %dma_start3A_54 = tpu.memref_slice %arg6[%dma_start3A_50, %dma_start3A_52, %dma_start3A_53] : memref<4x256x64xf32, #tpu.memory_space<vmem>> -> memref<1x256x64xf32, #tpu.memory_space<vmem>>
    %dma_start3A_55 = tpu.memref_squeeze %dma_start3A_54 : memref<1x256x64xf32, #tpu.memory_space<vmem>> -> memref<256x64xf32, #tpu.memory_space<vmem>>
    %dma_start3A_56 = arith.constant 128 : i32
    %dma_start3A_57 = arith.constant 0 : i32
    %dma_start3A_58 = tpu.memref_slice %dma_start3A_55[%dma_start3A_56, %dma_start3A_57] : memref<256x64xf32, #tpu.memory_space<vmem>> -> memref<128x64xf32, #tpu.memory_space<vmem>>
    %dma_start3A_59 = arith.constant 384 : i32
    %dma_start3A_60 = tpu.memref_slice %arg5[%dma_start3A_59] : memref<25600xi32, #tpu.memory_space<vmem>> -> memref<128xi32, #tpu.memory_space<vmem>>
    %dma_start3A_61 = arith.constant 0 : i32
    %dma_start3A_62 = arith.constant 0 : i32
    %dma_start3A_63 = tpu.memref_slice %arg3[%dma_start3A_61, %dma_start3A_62] : memref<1000000x64xf32, #tpu.memory_space<hbm>> -> memref<1000000x64xf32, #tpu.memory_space<hbm>>
    %dma_start3A_64 = tpu.memref_slice %arg7[%dma_start3A_51] : memref<4x!tpu.dma_semaphore, #tpu.memory_space<semaphore_mem>> -> memref<1x!tpu.dma_semaphore, #tpu.memory_space<semaphore_mem>>
    %dma_start3A_65 = tpu.memref_squeeze %dma_start3A_64 : memref<1x!tpu.dma_semaphore, #tpu.memory_space<semaphore_mem>> -> memref<!tpu.dma_semaphore, #tpu.memory_space<semaphore_mem>>
    tpu.enqueue_indirect_dma source(%dma_start3A_63 : memref<1000000x64xf32, #tpu.memory_space<hbm>>) target(%dma_start3A_58 : memref<128x64xf32, #tpu.memory_space<vmem>>) offsets(%dma_start3A_60 : memref<128xi32, #tpu.memory_space<vmem>>) semaphore(%dma_start3A_65 : memref<!tpu.dma_semaphore, #tpu.memory_space<semaphore_mem>>)
    %dma_start3A_66 = arith.constant 2 : i32
    %dma_start3A_67 = arith.constant 2 : i32
    %dma_start3A_68 = arith.constant 0 : i32
    %dma_start3A_69 = arith.constant 0 : i32
    %dma_start3A_70 = tpu.memref_slice %arg6[%dma_start3A_66, %dma_start3A_68, %dma_start3A_69] : memref<4x256x64xf32, #tpu.memory_space<vmem>> -> memref<1x256x64xf32, #tpu.memory_space<vmem>>
    %dma_start3A_71 = tpu.memref_squeeze %dma_start3A_70 : memref<1x256x64xf32, #tpu.memory_space<vmem>> -> memref<256x64xf32, #tpu.memory_space<vmem>>
    %dma_start3A_72 = arith.constant 0 : i32
    %dma_start3A_73 = arith.constant 0 : i32
    %dma_start3A_74 = tpu.memref_slice %dma_start3A_71[%dma_start3A_72, %dma_start3A_73] : memref<256x64xf32, #tpu.memory_space<vmem>> -> memref<128x64xf32, #tpu.memory_space<vmem>>
    %dma_start3A_75 = arith.constant 512 : i32
    %dma_start3A_76 = tpu.memref_slice %arg5[%dma_start3A_75] : memref<25600xi32, #tpu.memory_space<vmem>> -> memref<128xi32, #tpu.memory_space<vmem>>
    %dma_start3A_77 = arith.constant 0 : i32
    %dma_start3A_78 = arith.constant 0 : i32
    %dma_start3A_79 = tpu.memref_slice %arg3[%dma_start3A_77, %dma_start3A_78] : memref<1000000x64xf32, #tpu.memory_space<hbm>> -> memref<1000000x64xf32, #tpu.memory_space<hbm>>
    %dma_start3A_80 = tpu.memref_slice %arg7[%dma_start3A_67] : memref<4x!tpu.dma_semaphore, #tpu.memory_space<semaphore_mem>> -> memref<1x!tpu.dma_semaphore, #tpu.memory_space<semaphore_mem>>
    %dma_start3A_81 = tpu.memref_squeeze %dma_start3A_80 : memref<1x!tpu.dma_semaphore, #tpu.memory_space<semaphore_mem>> -> memref<!tpu.dma_semaphore, #tpu.memory_space<semaphore_mem>>
    tpu.enqueue_indirect_dma source(%dma_start3A_79 : memref<1000000x64xf32, #tpu.memory_space<hbm>>) target(%dma_start3A_74 : memref<128x64xf32, #tpu.memory_space<vmem>>) offsets(%dma_start3A_76 : memref<128xi32, #tpu.memory_space<vmem>>) semaphore(%dma_start3A_81 : memref<!tpu.dma_semaphore, #tpu.memory_space<semaphore_mem>>)
    %dma_start3A_82 = arith.constant 2 : i32
    %dma_start3A_83 = arith.constant 2 : i32
    %dma_start3A_84 = arith.constant 0 : i32
    %dma_start3A_85 = arith.constant 0 : i32
    %dma_start3A_86 = tpu.memref_slice %arg6[%dma_start3A_82, %dma_start3A_84, %dma_start3A_85] : memref<4x256x64xf32, #tpu.memory_space<vmem>> -> memref<1x256x64xf32, #tpu.memory_space<vmem>>
    %dma_start3A_87 = tpu.memref_squeeze %dma_start3A_86 : memref<1x256x64xf32, #tpu.memory_space<vmem>> -> memref<256x64xf32, #tpu.memory_space<vmem>>
    %dma_start3A_88 = arith.constant 128 : i32
    %dma_start3A_89 = arith.constant 0 : i32
    %dma_start3A_90 = tpu.memref_slice %dma_start3A_87[%dma_start3A_88, %dma_start3A_89] : memref<256x64xf32, #tpu.memory_space<vmem>> -> memref<128x64xf32, #tpu.memory_space<vmem>>
    %dma_start3A_91 = arith.constant 640 : i32
    %dma_start3A_92 = tpu.memref_slice %arg5[%dma_start3A_91] : memref<25600xi32, #tpu.memory_space<vmem>> -> memref<128xi32, #tpu.memory_space<vmem>>
    %dma_start3A_93 = arith.constant 0 : i32
    %dma_start3A_94 = arith.constant 0 : i32
    %dma_start3A_95 = tpu.memref_slice %arg3[%dma_start3A_93, %dma_start3A_94] : memref<1000000x64xf32, #tpu.memory_space<hbm>> -> memref<1000000x64xf32, #tpu.memory_space<hbm>>
    %dma_start3A_96 = tpu.memref_slice %arg7[%dma_start3A_83] : memref<4x!tpu.dma_semaphore, #tpu.memory_space<semaphore_mem>> -> memref<1x!tpu.dma_semaphore, #tpu.memory_space<semaphore_mem>>
    %dma_start3A_97 = tpu.memref_squeeze %dma_start3A_96 : memref<1x!tpu.dma_semaphore, #tpu.memory_space<semaphore_mem>> -> memref<!tpu.dma_semaphore, #tpu.memory_space<semaphore_mem>>
    tpu.enqueue_indirect_dma source(%dma_start3A_95 : memref<1000000x64xf32, #tpu.memory_space<hbm>>) target(%dma_start3A_90 : memref<128x64xf32, #tpu.memory_space<vmem>>) offsets(%dma_start3A_92 : memref<128xi32, #tpu.memory_space<vmem>>) semaphore(%dma_start3A_97 : memref<!tpu.dma_semaphore, #tpu.memory_space<semaphore_mem>>)
    %scan3A = arith.constant 0 : i32
    %scan3A_98 = arith.constant 0 : i32
    %scan3A_99 = arith.constant 25 : i32
    %scan3A_100 = arith.addi %scan3A_98, %scan3A_99 : i32
    %scan3A_101 = arith.constant 1 : i32
    %scan3A_102 = scf.for %scan3A_175 = %scan3A_98 to %scan3A_100 step %scan3A_101 iter_args(%scan3A_176 = %scan3A) -> (i32)  : i32 {
      %mul3A_177 = arith.constant 4 : i32
      %mul3A_178 = arith.muli %scan3A_175, %mul3A_177 : i32
      %add3A_179 = arith.constant 0 : i32
      %add3A_180 = arith.addi %mul3A_178, %add3A_179 : i32
      %add3A_181 = arith.constant 4 : i32
      %add3A_182 = arith.addi %add3A_180, %add3A_181 : i32
      %sub3A = arith.constant 1 : i32
      %sub3A_183 = arith.subi %add3A_182, %sub3A : i32
      %lt3A = arith.constant 100 : i32
      %lt3A_184 = arith.cmpi slt, %sub3A_183, %lt3A : i32
      %convert_element_type3A = arith.extui %lt3A_184 : i1 to i32
      %cond3A = arith.constant 0 : i32
      %cond3A_185 = arith.cmpi ne, %convert_element_type3A, %cond3A : i32
      scf.if %cond3A_185 {
        %ge3A = arith.constant 1 : i32
        %ge3A_402 = arith.cmpi sge, %add3A_180, %ge3A : i32
        %convert_element_type3A_403 = arith.extui %ge3A_402 : i1 to i32
        %cond3A_404 = arith.constant 0 : i32
        %cond3A_405 = arith.cmpi ne, %convert_element_type3A_403, %cond3A_404 : i32
        scf.if %cond3A_405 {
          %dma_wait3A_444 = arith.constant 3 : i32
          %dma_wait3A_445 = arith.constant 3 : i32
          %dma_wait3A_446 = arith.constant 0 : i32
          %dma_wait3A_447 = arith.constant 0 : i32
          %dma_wait3A_448 = tpu.memref_slice %arg6[%dma_wait3A_444, %dma_wait3A_446, %dma_wait3A_447] : memref<4x256x64xf32, #tpu.memory_space<vmem>> -> memref<1x256x64xf32, #tpu.memory_space<vmem>>
          %dma_wait3A_449 = tpu.memref_squeeze %dma_wait3A_448 : memref<1x256x64xf32, #tpu.memory_space<vmem>> -> memref<256x64xf32, #tpu.memory_space<vmem>>
          %dma_wait3A_450 = arith.constant 0 : i32
          %dma_wait3A_451 = arith.constant 0 : i32
          %dma_wait3A_452 = tpu.memref_slice %arg4[%dma_wait3A_450, %dma_wait3A_451] : memref<819200x64xf32, #tpu.memory_space<hbm>> -> memref<256x64xf32, #tpu.memory_space<hbm>>
          %dma_wait3A_453 = tpu.memref_slice %arg8[%dma_wait3A_445] : memref<4x!tpu.dma_semaphore, #tpu.memory_space<semaphore_mem>> -> memref<1x!tpu.dma_semaphore, #tpu.memory_space<semaphore_mem>>
          %dma_wait3A_454 = tpu.memref_squeeze %dma_wait3A_453 : memref<1x!tpu.dma_semaphore, #tpu.memory_space<semaphore_mem>> -> memref<!tpu.dma_semaphore, #tpu.memory_space<semaphore_mem>>
          %dma_wait3A_455 = arith.constant 0 : i32
          %dma_wait3A_456 = arith.constant 0 : i32
          %dma_wait3A_457 = tpu.memref_slice %arg6[%dma_wait3A_444, %dma_wait3A_455, %dma_wait3A_456] : memref<4x256x64xf32, #tpu.memory_space<vmem>> -> memref<1x256x64xf32, #tpu.memory_space<vmem>>
          %dma_wait3A_458 = tpu.memref_squeeze %dma_wait3A_457 : memref<1x256x64xf32, #tpu.memory_space<vmem>> -> memref<256x64xf32, #tpu.memory_space<vmem>>
          %dma_wait3A_459 = arith.constant 0 : i32
          %dma_wait3A_460 = arith.constant 0 : i32
          %dma_wait3A_461 = tpu.memref_slice %arg4[%dma_wait3A_459, %dma_wait3A_460] : memref<819200x64xf32, #tpu.memory_space<hbm>> -> memref<256x64xf32, #tpu.memory_space<hbm>>
          tpu.wait_dma2 semaphore(%dma_wait3A_454 : memref<!tpu.dma_semaphore, #tpu.memory_space<semaphore_mem>>) src(%dma_wait3A_461 : memref<256x64xf32, #tpu.memory_space<hbm>>) dst(%dma_wait3A_458 : memref<256x64xf32, #tpu.memory_space<vmem>>)
        } else {
        }
        %mul3A_406 = arith.constant 256 : i32
        %mul3A_407 = arith.muli %sub3A_183, %mul3A_406 : i32
        %add3A_408 = arith.constant 0 : i32
        %add3A_409 = arith.addi %mul3A_407, %add3A_408 : i32
        %dma_start3A_410 = arith.constant 3 : i32
        %dma_start3A_411 = arith.constant 3 : i32
        %dma_start3A_412 = arith.constant 0 : i32
        %dma_start3A_413 = arith.constant 0 : i32
        %dma_start3A_414 = tpu.memref_slice %arg6[%dma_start3A_410, %dma_start3A_412, %dma_start3A_413] : memref<4x256x64xf32, #tpu.memory_space<vmem>> -> memref<1x256x64xf32, #tpu.memory_space<vmem>>
        %dma_start3A_415 = tpu.memref_squeeze %dma_start3A_414 : memref<1x256x64xf32, #tpu.memory_space<vmem>> -> memref<256x64xf32, #tpu.memory_space<vmem>>
        %dma_start3A_416 = arith.constant 0 : i32
        %dma_start3A_417 = arith.constant 0 : i32
        %dma_start3A_418 = tpu.memref_slice %dma_start3A_415[%dma_start3A_416, %dma_start3A_417] : memref<256x64xf32, #tpu.memory_space<vmem>> -> memref<128x64xf32, #tpu.memory_space<vmem>>
        %dma_start3A_419 = tpu.memref_slice %arg5[%add3A_409] : memref<25600xi32, #tpu.memory_space<vmem>> -> memref<128xi32, #tpu.memory_space<vmem>>
        %dma_start3A_420 = arith.constant 0 : i32
        %dma_start3A_421 = arith.constant 0 : i32
        %dma_start3A_422 = tpu.memref_slice %arg3[%dma_start3A_420, %dma_start3A_421] : memref<1000000x64xf32, #tpu.memory_space<hbm>> -> memref<1000000x64xf32, #tpu.memory_space<hbm>>
        %dma_start3A_423 = tpu.memref_slice %arg7[%dma_start3A_411] : memref<4x!tpu.dma_semaphore, #tpu.memory_space<semaphore_mem>> -> memref<1x!tpu.dma_semaphore, #tpu.memory_space<semaphore_mem>>
        %dma_start3A_424 = tpu.memref_squeeze %dma_start3A_423 : memref<1x!tpu.dma_semaphore, #tpu.memory_space<semaphore_mem>> -> memref<!tpu.dma_semaphore, #tpu.memory_space<semaphore_mem>>
        tpu.enqueue_indirect_dma source(%dma_start3A_422 : memref<1000000x64xf32, #tpu.memory_space<hbm>>) target(%dma_start3A_418 : memref<128x64xf32, #tpu.memory_space<vmem>>) offsets(%dma_start3A_419 : memref<128xi32, #tpu.memory_space<vmem>>) semaphore(%dma_start3A_424 : memref<!tpu.dma_semaphore, #tpu.memory_space<semaphore_mem>>)
        %mul3A_425 = arith.constant 256 : i32
        %mul3A_426 = arith.muli %sub3A_183, %mul3A_425 : i32
        %add3A_427 = arith.constant 128 : i32
        %add3A_428 = arith.addi %mul3A_426, %add3A_427 : i32
        %dma_start3A_429 = arith.constant 3 : i32
        %dma_start3A_430 = arith.constant 3 : i32
        %dma_start3A_431 = arith.constant 0 : i32
        %dma_start3A_432 = arith.constant 0 : i32
        %dma_start3A_433 = tpu.memref_slice %arg6[%dma_start3A_429, %dma_start3A_431, %dma_start3A_432] : memref<4x256x64xf32, #tpu.memory_space<vmem>> -> memref<1x256x64xf32, #tpu.memory_space<vmem>>
        %dma_start3A_434 = tpu.memref_squeeze %dma_start3A_433 : memref<1x256x64xf32, #tpu.memory_space<vmem>> -> memref<256x64xf32, #tpu.memory_space<vmem>>
        %dma_start3A_435 = arith.constant 128 : i32
        %dma_start3A_436 = arith.constant 0 : i32
        %dma_start3A_437 = tpu.memref_slice %dma_start3A_434[%dma_start3A_435, %dma_start3A_436] : memref<256x64xf32, #tpu.memory_space<vmem>> -> memref<128x64xf32, #tpu.memory_space<vmem>>
        %dma_start3A_438 = tpu.memref_slice %arg5[%add3A_428] : memref<25600xi32, #tpu.memory_space<vmem>> -> memref<128xi32, #tpu.memory_space<vmem>>
        %dma_start3A_439 = arith.constant 0 : i32
        %dma_start3A_440 = arith.constant 0 : i32
        %dma_start3A_441 = tpu.memref_slice %arg3[%dma_start3A_439, %dma_start3A_440] : memref<1000000x64xf32, #tpu.memory_space<hbm>> -> memref<1000000x64xf32, #tpu.memory_space<hbm>>
        %dma_start3A_442 = tpu.memref_slice %arg7[%dma_start3A_430] : memref<4x!tpu.dma_semaphore, #tpu.memory_space<semaphore_mem>> -> memref<1x!tpu.dma_semaphore, #tpu.memory_space<semaphore_mem>>
        %dma_start3A_443 = tpu.memref_squeeze %dma_start3A_442 : memref<1x!tpu.dma_semaphore, #tpu.memory_space<semaphore_mem>> -> memref<!tpu.dma_semaphore, #tpu.memory_space<semaphore_mem>>
        tpu.enqueue_indirect_dma source(%dma_start3A_441 : memref<1000000x64xf32, #tpu.memory_space<hbm>>) target(%dma_start3A_437 : memref<128x64xf32, #tpu.memory_space<vmem>>) offsets(%dma_start3A_438 : memref<128xi32, #tpu.memory_space<vmem>>) semaphore(%dma_start3A_443 : memref<!tpu.dma_semaphore, #tpu.memory_space<semaphore_mem>>)
      } else {
      }
      %dma_wait3A_186 = arith.constant 0 : i32
      %dma_wait3A_187 = arith.constant 0 : i32
      %dma_wait3A_188 = arith.constant 0 : i32
      %dma_wait3A_189 = arith.constant 0 : i32
      %dma_wait3A_190 = tpu.memref_slice %arg6[%dma_wait3A_186, %dma_wait3A_188, %dma_wait3A_189] : memref<4x256x64xf32, #tpu.memory_space<vmem>> -> memref<1x256x64xf32, #tpu.memory_space<vmem>>
      %dma_wait3A_191 = tpu.memref_squeeze %dma_wait3A_190 : memref<1x256x64xf32, #tpu.memory_space<vmem>> -> memref<256x64xf32, #tpu.memory_space<vmem>>
      %dma_wait3A_192 = arith.constant 0 : i32
      %dma_wait3A_193 = arith.constant 0 : i32
      %dma_wait3A_194 = tpu.memref_slice %arg4[%dma_wait3A_192, %dma_wait3A_193] : memref<819200x64xf32, #tpu.memory_space<hbm>> -> memref<256x64xf32, #tpu.memory_space<hbm>>
      %dma_wait3A_195 = tpu.memref_slice %arg7[%dma_wait3A_187] : memref<4x!tpu.dma_semaphore, #tpu.memory_space<semaphore_mem>> -> memref<1x!tpu.dma_semaphore, #tpu.memory_space<semaphore_mem>>
      %dma_wait3A_196 = tpu.memref_squeeze %dma_wait3A_195 : memref<1x!tpu.dma_semaphore, #tpu.memory_space<semaphore_mem>> -> memref<!tpu.dma_semaphore, #tpu.memory_space<semaphore_mem>>
      %dma_wait3A_197 = arith.constant 0 : i32
      %dma_wait3A_198 = arith.constant 0 : i32
      %dma_wait3A_199 = tpu.memref_slice %arg6[%dma_wait3A_186, %dma_wait3A_197, %dma_wait3A_198] : memref<4x256x64xf32, #tpu.memory_space<vmem>> -> memref<1x256x64xf32, #tpu.memory_space<vmem>>
      %dma_wait3A_200 = tpu.memref_squeeze %dma_wait3A_199 : memref<1x256x64xf32, #tpu.memory_space<vmem>> -> memref<256x64xf32, #tpu.memory_space<vmem>>
      %dma_wait3A_201 = arith.constant 0 : i32
      %dma_wait3A_202 = arith.constant 0 : i32
      %dma_wait3A_203 = tpu.memref_slice %arg4[%dma_wait3A_201, %dma_wait3A_202] : memref<819200x64xf32, #tpu.memory_space<hbm>> -> memref<256x64xf32, #tpu.memory_space<hbm>>
      tpu.wait_dma2 semaphore(%dma_wait3A_196 : memref<!tpu.dma_semaphore, #tpu.memory_space<semaphore_mem>>) src(%dma_wait3A_203 : memref<256x64xf32, #tpu.memory_space<hbm>>) dst(%dma_wait3A_200 : memref<256x64xf32, #tpu.memory_space<vmem>>)
      %scan3A_204 = arith.constant 0 : i32
      %scan3A_205 = arith.constant 0 : i32
      %scan3A_206 = arith.constant 128 : i32
      %scan3A_207 = arith.addi %scan3A_205, %scan3A_206 : i32
      %scan3A_208 = arith.constant 1 : i32
      %scan3A_209 = scf.for %scan3A_402 = %scan3A_205 to %scan3A_207 step %scan3A_208 iter_args(%scan3A_403 = %scan3A_204) -> (i32)  : i32 {
        %mul3A_404 = arith.constant 2 : i32
        %mul3A_405 = arith.muli %scan3A_402, %mul3A_404 : i32
        %add3A_406 = arith.constant 0 : i32
        %add3A_407 = arith.addi %mul3A_405, %add3A_406 : i32
        %get3A = arith.constant 0 : i32
        %get3A_408 = arith.index_cast %get3A : i32 to index
        %get3A_409 = arith.index_cast %add3A_407 : i32 to index
        %get3A_410 = arith.constant 0 : index
        %get3A_411 = tpu.vector_load %arg6[%get3A_408, %get3A_409, %get3A_410] {strides = array<i32>} : memref<4x256x64xf32, #tpu.memory_space<vmem>>, vector<1x1x16xf32>,
        %get3A_412 = vector.shape_cast %get3A_411 : vector<1x1x16xf32> to vector<16xf32>
        %mul3A_413 = arith.constant 8.000000e+00 : f32
        %mul3A_414 = vector.broadcast %mul3A_413 : f32 to vector<16xf32>
        %mul3A_415 = arith.mulf %get3A_412, %mul3A_414 : vector<16xf32>
        %mul3A_416 = arith.constant 2 : i32
        %mul3A_417 = arith.muli %scan3A_402, %mul3A_416 : i32
        %add3A_418 = arith.constant 0 : i32
        %add3A_419 = arith.addi %mul3A_417, %add3A_418 : i32
        %swap3A = arith.constant 0 : i32
        %swap3A_420 = arith.index_cast %swap3A : i32 to index
        %swap3A_421 = arith.index_cast %add3A_419 : i32 to index
        %swap3A_422 = arith.constant 0 : index
        %swap3A_423 = tpu.vector_load %arg6[%swap3A_420, %swap3A_421, %swap3A_422] {strides = array<i32>} : memref<4x256x64xf32, #tpu.memory_space<vmem>>, vector<1x1x16xf32>,
        %swap3A_424 = vector.shape_cast %swap3A_423 : vector<1x1x16xf32> to vector<16xf32>
        %swap3A_425 = vector.shape_cast %mul3A_415 : vector<16xf32> to vector<1x1x16xf32>
        tpu.vector_store %arg6[%swap3A_420, %swap3A_421, %swap3A_422], %swap3A_425 {strides = array<i32>} : memref<4x256x64xf32, #tpu.memory_space<vmem>>, vector<1x1x16xf32>,
        %mul3A_426 = arith.constant 2 : i32
        %mul3A_427 = arith.muli %scan3A_402, %mul3A_426 : i32
        %add3A_428 = arith.constant 0 : i32
        %add3A_429 = arith.addi %mul3A_427, %add3A_428 : i32
        %get3A_430 = arith.constant 0 : i32
        %get3A_431 = arith.index_cast %get3A_430 : i32 to index
        %get3A_432 = arith.index_cast %add3A_429 : i32 to index
        %get3A_433 = arith.constant 16 : index
        %get3A_434 = tpu.vector_load %arg6[%get3A_431, %get3A_432, %get3A_433] {strides = array<i32>} : memref<4x256x64xf32, #tpu.memory_space<vmem>>, vector<1x1x16xf32>,
        %get3A_435 = vector.shape_cast %get3A_434 : vector<1x1x16xf32> to vector<16xf32>
        %mul3A_436 = arith.constant 8.000000e+00 : f32
        %mul3A_437 = vector.broadcast %mul3A_436 : f32 to vector<16xf32>
        %mul3A_438 = arith.mulf %get3A_435, %mul3A_437 : vector<16xf32>
        %mul3A_439 = arith.constant 2 : i32
        %mul3A_440 = arith.muli %scan3A_402, %mul3A_439 : i32
        %add3A_441 = arith.constant 0 : i32
        %add3A_442 = arith.addi %mul3A_440, %add3A_441 : i32
        %swap3A_443 = arith.constant 0 : i32
        %swap3A_444 = arith.index_cast %swap3A_443 : i32 to index
        %swap3A_445 = arith.index_cast %add3A_442 : i32 to index
        %swap3A_446 = arith.constant 16 : index
        %swap3A_447 = tpu.vector_load %arg6[%swap3A_444, %swap3A_445, %swap3A_446] {strides = array<i32>} : memref<4x256x64xf32, #tpu.memory_space<vmem>>, vector<1x1x16xf32>,
        %swap3A_448 = vector.shape_cast %swap3A_447 : vector<1x1x16xf32> to vector<16xf32>
        %swap3A_449 = vector.shape_cast %mul3A_438 : vector<16xf32> to vector<1x1x16xf32>
        tpu.vector_store %arg6[%swap3A_444, %swap3A_445, %swap3A_446], %swap3A_449 {strides = array<i32>} : memref<4x256x64xf32, #tpu.memory_space<vmem>>, vector<1x1x16xf32>,
        %mul3A_450 = arith.constant 2 : i32
        %mul3A_451 = arith.muli %scan3A_402, %mul3A_450 : i32
        %add3A_452 = arith.constant 0 : i32
        %add3A_453 = arith.addi %mul3A_451, %add3A_452 : i32
        %get3A_454 = arith.constant 0 : i32
        %get3A_455 = arith.index_cast %get3A_454 : i32 to index
        %get3A_456 = arith.index_cast %add3A_453 : i32 to index
        %get3A_457 = arith.constant 32 : index
        %get3A_458 = tpu.vector_load %arg6[%get3A_455, %get3A_456, %get3A_457] {strides = array<i32>} : memref<4x256x64xf32, #tpu.memory_space<vmem>>, vector<1x1x16xf32>,
        %get3A_459 = vector.shape_cast %get3A_458 : vector<1x1x16xf32> to vector<16xf32>
        %mul3A_460 = arith.constant 8.000000e+00 : f32
        %mul3A_461 = vector.broadcast %mul3A_460 : f32 to vector<16xf32>
        %mul3A_462 = arith.mulf %get3A_459, %mul3A_461 : vector<16xf32>
        %mul3A_463 = arith.constant 2 : i32
        %mul3A_464 = arith.muli %scan3A_402, %mul3A_463 : i32
        %add3A_465 = arith.constant 0 : i32
        %add3A_466 = arith.addi %mul3A_464, %add3A_465 : i32
        %swap3A_467 = arith.constant 0 : i32
        %swap3A_468 = arith.index_cast %swap3A_467 : i32 to index
        %swap3A_469 = arith.index_cast %add3A_466 : i32 to index
        %swap3A_470 = arith.constant 32 : index
        %swap3A_471 = tpu.vector_load %arg6[%swap3A_468, %swap3A_469, %swap3A_470] {strides = array<i32>} : memref<4x256x64xf32, #tpu.memory_space<vmem>>, vector<1x1x16xf32>,
        %swap3A_472 = vector.shape_cast %swap3A_471 : vector<1x1x16xf32> to vector<16xf32>
        %swap3A_473 = vector.shape_cast %mul3A_462 : vector<16xf32> to vector<1x1x16xf32>
        tpu.vector_store %arg6[%swap3A_468, %swap3A_469, %swap3A_470], %swap3A_473 {strides = array<i32>} : memref<4x256x64xf32, #tpu.memory_space<vmem>>, vector<1x1x16xf32>,
        %mul3A_474 = arith.constant 2 : i32
        %mul3A_475 = arith.muli %scan3A_402, %mul3A_474 : i32
        %add3A_476 = arith.constant 0 : i32
        %add3A_477 = arith.addi %mul3A_475, %add3A_476 : i32
        %get3A_478 = arith.constant 0 : i32
        %get3A_479 = arith.index_cast %get3A_478 : i32 to index
        %get3A_480 = arith.index_cast %add3A_477 : i32 to index
        %get3A_481 = arith.constant 48 : index
        %get3A_482 = tpu.vector_load %arg6[%get3A_479, %get3A_480, %get3A_481] {strides = array<i32>} : memref<4x256x64xf32, #tpu.memory_space<vmem>>, vector<1x1x16xf32>,
        %get3A_483 = vector.shape_cast %get3A_482 : vector<1x1x16xf32> to vector<16xf32>
        %mul3A_484 = arith.constant 8.000000e+00 : f32
        %mul3A_485 = vector.broadcast %mul3A_484 : f32 to vector<16xf32>
        %mul3A_486 = arith.mulf %get3A_483, %mul3A_485 : vector<16xf32>
        %mul3A_487 = arith.constant 2 : i32
        %mul3A_488 = arith.muli %scan3A_402, %mul3A_487 : i32
        %add3A_489 = arith.constant 0 : i32
        %add3A_490 = arith.addi %mul3A_488, %add3A_489 : i32
        %swap3A_491 = arith.constant 0 : i32
        %swap3A_492 = arith.index_cast %swap3A_491 : i32 to index
        %swap3A_493 = arith.index_cast %add3A_490 : i32 to index
        %swap3A_494 = arith.constant 48 : index
        %swap3A_495 = tpu.vector_load %arg6[%swap3A_492, %swap3A_493, %swap3A_494] {strides = array<i32>} : memref<4x256x64xf32, #tpu.memory_space<vmem>>, vector<1x1x16xf32>,
        %swap3A_496 = vector.shape_cast %swap3A_495 : vector<1x1x16xf32> to vector<16xf32>
        %swap3A_497 = vector.shape_cast %mul3A_486 : vector<16xf32> to vector<1x1x16xf32>
        tpu.vector_store %arg6[%swap3A_492, %swap3A_493, %swap3A_494], %swap3A_497 {strides = array<i32>} : memref<4x256x64xf32, #tpu.memory_space<vmem>>, vector<1x1x16xf32>,
        %mul3A_498 = arith.constant 2 : i32
        %mul3A_499 = arith.muli %scan3A_402, %mul3A_498 : i32
        %add3A_500 = arith.constant 1 : i32
        %add3A_501 = arith.addi %mul3A_499, %add3A_500 : i32
        %get3A_502 = arith.constant 0 : i32
        %get3A_503 = arith.index_cast %get3A_502 : i32 to index
        %get3A_504 = arith.index_cast %add3A_501 : i32 to index
        %get3A_505 = arith.constant 0 : index
        %get3A_506 = tpu.vector_load %arg6[%get3A_503, %get3A_504, %get3A_505] {strides = array<i32>} : memref<4x256x64xf32, #tpu.memory_space<vmem>>, vector<1x1x16xf32>,
        %get3A_507 = vector.shape_cast %get3A_506 : vector<1x1x16xf32> to vector<16xf32>
        %mul3A_508 = arith.constant 8.000000e+00 : f32
        %mul3A_509 = vector.broadcast %mul3A_508 : f32 to vector<16xf32>
        %mul3A_510 = arith.mulf %get3A_507, %mul3A_509 : vector<16xf32>
        %mul3A_511 = arith.constant 2 : i32
        %mul3A_512 = arith.muli %scan3A_402, %mul3A_511 : i32
        %add3A_513 = arith.constant 1 : i32
        %add3A_514 = arith.addi %mul3A_512, %add3A_513 : i32
        %swap3A_515 = arith.constant 0 : i32
        %swap3A_516 = arith.index_cast %swap3A_515 : i32 to index
        %swap3A_517 = arith.index_cast %add3A_514 : i32 to index
        %swap3A_518 = arith.constant 0 : index
        %swap3A_519 = tpu.vector_load %arg6[%swap3A_516, %swap3A_517, %swap3A_518] {strides = array<i32>} : memref<4x256x64xf32, #tpu.memory_space<vmem>>, vector<1x1x16xf32>,
        %swap3A_520 = vector.shape_cast %swap3A_519 : vector<1x1x16xf32> to vector<16xf32>
        %swap3A_521 = vector.shape_cast %mul3A_510 : vector<16xf32> to vector<1x1x16xf32>
        tpu.vector_store %arg6[%swap3A_516, %swap3A_517, %swap3A_518], %swap3A_521 {strides = array<i32>} : memref<4x256x64xf32, #tpu.memory_space<vmem>>, vector<1x1x16xf32>,
        %mul3A_522 = arith.constant 2 : i32
        %mul3A_523 = arith.muli %scan3A_402, %mul3A_522 : i32
        %add3A_524 = arith.constant 1 : i32
        %add3A_525 = arith.addi %mul3A_523, %add3A_524 : i32
        %get3A_526 = arith.constant 0 : i32
        %get3A_527 = arith.index_cast %get3A_526 : i32 to index
        %get3A_528 = arith.index_cast %add3A_525 : i32 to index
        %get3A_529 = arith.constant 16 : index
        %get3A_530 = tpu.vector_load %arg6[%get3A_527, %get3A_528, %get3A_529] {strides = array<i32>} : memref<4x256x64xf32, #tpu.memory_space<vmem>>, vector<1x1x16xf32>,
        %get3A_531 = vector.shape_cast %get3A_530 : vector<1x1x16xf32> to vector<16xf32>
        %mul3A_532 = arith.constant 8.000000e+00 : f32
        %mul3A_533 = vector.broadcast %mul3A_532 : f32 to vector<16xf32>
        %mul3A_534 = arith.mulf %get3A_531, %mul3A_533 : vector<16xf32>
        %mul3A_535 = arith.constant 2 : i32
        %mul3A_536 = arith.muli %scan3A_402, %mul3A_535 : i32
        %add3A_537 = arith.constant 1 : i32
        %add3A_538 = arith.addi %mul3A_536, %add3A_537 : i32
        %swap3A_539 = arith.constant 0 : i32
        %swap3A_540 = arith.index_cast %swap3A_539 : i32 to index
        %swap3A_541 = arith.index_cast %add3A_538 : i32 to index
        %swap3A_542 = arith.constant 16 : index
        %swap3A_543 = tpu.vector_load %arg6[%swap3A_540, %swap3A_541, %swap3A_542] {strides = array<i32>} : memref<4x256x64xf32, #tpu.memory_space<vmem>>, vector<1x1x16xf32>,
        %swap3A_544 = vector.shape_cast %swap3A_543 : vector<1x1x16xf32> to vector<16xf32>
        %swap3A_545 = vector.shape_cast %mul3A_534 : vector<16xf32> to vector<1x1x16xf32>
        tpu.vector_store %arg6[%swap3A_540, %swap3A_541, %swap3A_542], %swap3A_545 {strides = array<i32>} : memref<4x256x64xf32, #tpu.memory_space<vmem>>, vector<1x1x16xf32>,
        %mul3A_546 = arith.constant 2 : i32
        %mul3A_547 = arith.muli %scan3A_402, %mul3A_546 : i32
        %add3A_548 = arith.constant 1 : i32
        %add3A_549 = arith.addi %mul3A_547, %add3A_548 : i32
        %get3A_550 = arith.constant 0 : i32
        %get3A_551 = arith.index_cast %get3A_550 : i32 to index
        %get3A_552 = arith.index_cast %add3A_549 : i32 to index
        %get3A_553 = arith.constant 32 : index
        %get3A_554 = tpu.vector_load %arg6[%get3A_551, %get3A_552, %get3A_553] {strides = array<i32>} : memref<4x256x64xf32, #tpu.memory_space<vmem>>, vector<1x1x16xf32>,
        %get3A_555 = vector.shape_cast %get3A_554 : vector<1x1x16xf32> to vector<16xf32>
        %mul3A_556 = arith.constant 8.000000e+00 : f32
        %mul3A_557 = vector.broadcast %mul3A_556 : f32 to vector<16xf32>
        %mul3A_558 = arith.mulf %get3A_555, %mul3A_557 : vector<16xf32>
        %mul3A_559 = arith.constant 2 : i32
        %mul3A_560 = arith.muli %scan3A_402, %mul3A_559 : i32
        %add3A_561 = arith.constant 1 : i32
        %add3A_562 = arith.addi %mul3A_560, %add3A_561 : i32
        %swap3A_563 = arith.constant 0 : i32
        %swap3A_564 = arith.index_cast %swap3A_563 : i32 to index
        %swap3A_565 = arith.index_cast %add3A_562 : i32 to index
        %swap3A_566 = arith.constant 32 : index
        %swap3A_567 = tpu.vector_load %arg6[%swap3A_564, %swap3A_565, %swap3A_566] {strides = array<i32>} : memref<4x256x64xf32, #tpu.memory_space<vmem>>, vector<1x1x16xf32>,
        %swap3A_568 = vector.shape_cast %swap3A_567 : vector<1x1x16xf32> to vector<16xf32>
        %swap3A_569 = vector.shape_cast %mul3A_558 : vector<16xf32> to vector<1x1x16xf32>
        tpu.vector_store %arg6[%swap3A_564, %swap3A_565, %swap3A_566], %swap3A_569 {strides = array<i32>} : memref<4x256x64xf32, #tpu.memory_space<vmem>>, vector<1x1x16xf32>,
        %mul3A_570 = arith.constant 2 : i32
        %mul3A_571 = arith.muli %scan3A_402, %mul3A_570 : i32
        %add3A_572 = arith.constant 1 : i32
        %add3A_573 = arith.addi %mul3A_571, %add3A_572 : i32
        %get3A_574 = arith.constant 0 : i32
        %get3A_575 = arith.index_cast %get3A_574 : i32 to index
        %get3A_576 = arith.index_cast %add3A_573 : i32 to index
        %get3A_577 = arith.constant 48 : index
        %get3A_578 = tpu.vector_load %arg6[%get3A_575, %get3A_576, %get3A_577] {strides = array<i32>} : memref<4x256x64xf32, #tpu.memory_space<vmem>>, vector<1x1x16xf32>,
        %get3A_579 = vector.shape_cast %get3A_578 : vector<1x1x16xf32> to vector<16xf32>
        %mul3A_580 = arith.constant 8.000000e+00 : f32
        %mul3A_581 = vector.broadcast %mul3A_580 : f32 to vector<16xf32>
        %mul3A_582 = arith.mulf %get3A_579, %mul3A_581 : vector<16xf32>
        %mul3A_583 = arith.constant 2 : i32
        %mul3A_584 = arith.muli %scan3A_402, %mul3A_583 : i32
        %add3A_585 = arith.constant 1 : i32
        %add3A_586 = arith.addi %mul3A_584, %add3A_585 : i32
        %swap3A_587 = arith.constant 0 : i32
        %swap3A_588 = arith.index_cast %swap3A_587 : i32 to index
        %swap3A_589 = arith.index_cast %add3A_586 : i32 to index
        %swap3A_590 = arith.constant 48 : index
        %swap3A_591 = tpu.vector_load %arg6[%swap3A_588, %swap3A_589, %swap3A_590] {strides = array<i32>} : memref<4x256x64xf32, #tpu.memory_space<vmem>>, vector<1x1x16xf32>,
        %swap3A_592 = vector.shape_cast %swap3A_591 : vector<1x1x16xf32> to vector<16xf32>
        %swap3A_593 = vector.shape_cast %mul3A_582 : vector<16xf32> to vector<1x1x16xf32>
        tpu.vector_store %arg6[%swap3A_588, %swap3A_589, %swap3A_590], %swap3A_593 {strides = array<i32>} : memref<4x256x64xf32, #tpu.memory_space<vmem>>, vector<1x1x16xf32>,
        %scan3A_594 = arith.constant 0 : i32
        scf.yield %scan3A_594 : i32
      }
      %scan3A_210 = arith.constant 128 : i32
      %mul3A_211 = arith.constant 256 : i32
      %mul3A_212 = arith.muli %add3A_180, %mul3A_211 : i32
      %add3A_213 = arith.addi %mul3A_2, %mul3A_212 : i32
      %dma_start3A_214 = arith.constant 0 : i32
      %dma_start3A_215 = arith.constant 0 : i32
      %dma_start3A_216 = arith.constant 0 : i32
      %dma_start3A_217 = arith.constant 0 : i32
      %dma_start3A_218 = tpu.memref_slice %arg6[%dma_start3A_214, %dma_start3A_216, %dma_start3A_217] : memref<4x256x64xf32, #tpu.memory_space<vmem>> -> memref<1x256x64xf32, #tpu.memory_space<vmem>>
      %dma_start3A_219 = tpu.memref_squeeze %dma_start3A_218 : memref<1x256x64xf32, #tpu.memory_space<vmem>> -> memref<256x64xf32, #tpu.memory_space<vmem>>
      %dma_start3A_220 = arith.constant 0 : i32
      %dma_start3A_221 = tpu.memref_slice %arg4[%add3A_213, %dma_start3A_220] : memref<819200x64xf32, #tpu.memory_space<hbm>> -> memref<256x64xf32, #tpu.memory_space<hbm>>
      %dma_start3A_222 = tpu.memref_slice %arg8[%dma_start3A_215] : memref<4x!tpu.dma_semaphore, #tpu.memory_space<semaphore_mem>> -> memref<1x!tpu.dma_semaphore, #tpu.memory_space<semaphore_mem>>
      %dma_start3A_223 = tpu.memref_squeeze %dma_start3A_222 : memref<1x!tpu.dma_semaphore, #tpu.memory_space<semaphore_mem>> -> memref<!tpu.dma_semaphore, #tpu.memory_space<semaphore_mem>>
      %dma_start3A_224 = arith.constant 0 : i32
      %dma_start3A_225 = tpu.memref_slice %arg4[%add3A_213, %dma_start3A_224] : memref<819200x64xf32, #tpu.memory_space<hbm>> -> memref<256x64xf32, #tpu.memory_space<hbm>>
      %dma_start3A_226 = arith.constant 0 : i32
      %dma_start3A_227 = arith.constant 0 : i32
      %dma_start3A_228 = tpu.memref_slice %arg6[%dma_start3A_214, %dma_start3A_226, %dma_start3A_227] : memref<4x256x64xf32, #tpu.memory_space<vmem>> -> memref<1x256x64xf32, #tpu.memory_space<vmem>>
      %dma_start3A_229 = tpu.memref_squeeze %dma_start3A_228 : memref<1x256x64xf32, #tpu.memory_space<vmem>> -> memref<256x64xf32, #tpu.memory_space<vmem>>
      tpu.enqueue_dma source(%dma_start3A_229 : memref<256x64xf32, #tpu.memory_space<vmem>>) target(%dma_start3A_225 : memref<256x64xf32, #tpu.memory_space<hbm>>) target_semaphore(%dma_start3A_223 : memref<!tpu.dma_semaphore, #tpu.memory_space<semaphore_mem>>)
      %mul3A_230 = arith.constant 4 : i32
      %mul3A_231 = arith.muli %scan3A_175, %mul3A_230 : i32
      %add3A_232 = arith.constant 1 : i32
      %add3A_233 = arith.addi %mul3A_231, %add3A_232 : i32
      %add3A_234 = arith.constant 4 : i32
      %add3A_235 = arith.addi %add3A_233, %add3A_234 : i32
      %sub3A_236 = arith.constant 1 : i32
      %sub3A_237 = arith.subi %add3A_235, %sub3A_236 : i32
      %lt3A_238 = arith.constant 100 : i32
      %lt3A_239 = arith.cmpi slt, %sub3A_237, %lt3A_238 : i32
      %convert_element_type3A_240 = arith.extui %lt3A_239 : i1 to i32
      %cond3A_241 = arith.constant 0 : i32
      %cond3A_242 = arith.cmpi ne, %convert_element_type3A_240, %cond3A_241 : i32
      scf.if %cond3A_242 {
        %ge3A = arith.constant 1 : i32
        %ge3A_402 = arith.cmpi sge, %add3A_233, %ge3A : i32
        %convert_element_type3A_403 = arith.extui %ge3A_402 : i1 to i32
        %cond3A_404 = arith.constant 0 : i32
        %cond3A_405 = arith.cmpi ne, %convert_element_type3A_403, %cond3A_404 : i32
        scf.if %cond3A_405 {
          %dma_wait3A_444 = arith.constant 0 : i32
          %dma_wait3A_445 = arith.constant 0 : i32
          %dma_wait3A_446 = arith.constant 0 : i32
          %dma_wait3A_447 = arith.constant 0 : i32
          %dma_wait3A_448 = tpu.memref_slice %arg6[%dma_wait3A_444, %dma_wait3A_446, %dma_wait3A_447] : memref<4x256x64xf32, #tpu.memory_space<vmem>> -> memref<1x256x64xf32, #tpu.memory_space<vmem>>
          %dma_wait3A_449 = tpu.memref_squeeze %dma_wait3A_448 : memref<1x256x64xf32, #tpu.memory_space<vmem>> -> memref<256x64xf32, #tpu.memory_space<vmem>>
          %dma_wait3A_450 = arith.constant 0 : i32
          %dma_wait3A_451 = arith.constant 0 : i32
          %dma_wait3A_452 = tpu.memref_slice %arg4[%dma_wait3A_450, %dma_wait3A_451] : memref<819200x64xf32, #tpu.memory_space<hbm>> -> memref<256x64xf32, #tpu.memory_space<hbm>>
          %dma_wait3A_453 = tpu.memref_slice %arg8[%dma_wait3A_445] : memref<4x!tpu.dma_semaphore, #tpu.memory_space<semaphore_mem>> -> memref<1x!tpu.dma_semaphore, #tpu.memory_space<semaphore_mem>>
          %dma_wait3A_454 = tpu.memref_squeeze %dma_wait3A_453 : memref<1x!tpu.dma_semaphore, #tpu.memory_space<semaphore_mem>> -> memref<!tpu.dma_semaphore, #tpu.memory_space<semaphore_mem>>
          %dma_wait3A_455 = arith.constant 0 : i32
          %dma_wait3A_456 = arith.constant 0 : i32
          %dma_wait3A_457 = tpu.memref_slice %arg6[%dma_wait3A_444, %dma_wait3A_455, %dma_wait3A_456] : memref<4x256x64xf32, #tpu.memory_space<vmem>> -> memref<1x256x64xf32, #tpu.memory_space<vmem>>
          %dma_wait3A_458 = tpu.memref_squeeze %dma_wait3A_457 : memref<1x256x64xf32, #tpu.memory_space<vmem>> -> memref<256x64xf32, #tpu.memory_space<vmem>>
          %dma_wait3A_459 = arith.constant 0 : i32
          %dma_wait3A_460 = arith.constant 0 : i32
          %dma_wait3A_461 = tpu.memref_slice %arg4[%dma_wait3A_459, %dma_wait3A_460] : memref<819200x64xf32, #tpu.memory_space<hbm>> -> memref<256x64xf32, #tpu.memory_space<hbm>>
          tpu.wait_dma2 semaphore(%dma_wait3A_454 : memref<!tpu.dma_semaphore, #tpu.memory_space<semaphore_mem>>) src(%dma_wait3A_461 : memref<256x64xf32, #tpu.memory_space<hbm>>) dst(%dma_wait3A_458 : memref<256x64xf32, #tpu.memory_space<vmem>>)
        } else {
        }
        %mul3A_406 = arith.constant 256 : i32
        %mul3A_407 = arith.muli %sub3A_237, %mul3A_406 : i32
        %add3A_408 = arith.constant 0 : i32
        %add3A_409 = arith.addi %mul3A_407, %add3A_408 : i32
        %dma_start3A_410 = arith.constant 0 : i32
        %dma_start3A_411 = arith.constant 0 : i32
        %dma_start3A_412 = arith.constant 0 : i32
        %dma_start3A_413 = arith.constant 0 : i32
        %dma_start3A_414 = tpu.memref_slice %arg6[%dma_start3A_410, %dma_start3A_412, %dma_start3A_413] : memref<4x256x64xf32, #tpu.memory_space<vmem>> -> memref<1x256x64xf32, #tpu.memory_space<vmem>>
        %dma_start3A_415 = tpu.memref_squeeze %dma_start3A_414 : memref<1x256x64xf32, #tpu.memory_space<vmem>> -> memref<256x64xf32, #tpu.memory_space<vmem>>
        %dma_start3A_416 = arith.constant 0 : i32
        %dma_start3A_417 = arith.constant 0 : i32
        %dma_start3A_418 = tpu.memref_slice %dma_start3A_415[%dma_start3A_416, %dma_start3A_417] : memref<256x64xf32, #tpu.memory_space<vmem>> -> memref<128x64xf32, #tpu.memory_space<vmem>>
        %dma_start3A_419 = tpu.memref_slice %arg5[%add3A_409] : memref<25600xi32, #tpu.memory_space<vmem>> -> memref<128xi32, #tpu.memory_space<vmem>>
        %dma_start3A_420 = arith.constant 0 : i32
        %dma_start3A_421 = arith.constant 0 : i32
        %dma_start3A_422 = tpu.memref_slice %arg3[%dma_start3A_420, %dma_start3A_421] : memref<1000000x64xf32, #tpu.memory_space<hbm>> -> memref<1000000x64xf32, #tpu.memory_space<hbm>>
        %dma_start3A_423 = tpu.memref_slice %arg7[%dma_start3A_411] : memref<4x!tpu.dma_semaphore, #tpu.memory_space<semaphore_mem>> -> memref<1x!tpu.dma_semaphore, #tpu.memory_space<semaphore_mem>>
        %dma_start3A_424 = tpu.memref_squeeze %dma_start3A_423 : memref<1x!tpu.dma_semaphore, #tpu.memory_space<semaphore_mem>> -> memref<!tpu.dma_semaphore, #tpu.memory_space<semaphore_mem>>
        tpu.enqueue_indirect_dma source(%dma_start3A_422 : memref<1000000x64xf32, #tpu.memory_space<hbm>>) target(%dma_start3A_418 : memref<128x64xf32, #tpu.memory_space<vmem>>) offsets(%dma_start3A_419 : memref<128xi32, #tpu.memory_space<vmem>>) semaphore(%dma_start3A_424 : memref<!tpu.dma_semaphore, #tpu.memory_space<semaphore_mem>>)
        %mul3A_425 = arith.constant 256 : i32
        %mul3A_426 = arith.muli %sub3A_237, %mul3A_425 : i32
        %add3A_427 = arith.constant 128 : i32
        %add3A_428 = arith.addi %mul3A_426, %add3A_427 : i32
        %dma_start3A_429 = arith.constant 0 : i32
        %dma_start3A_430 = arith.constant 0 : i32
        %dma_start3A_431 = arith.constant 0 : i32
        %dma_start3A_432 = arith.constant 0 : i32
        %dma_start3A_433 = tpu.memref_slice %arg6[%dma_start3A_429, %dma_start3A_431, %dma_start3A_432] : memref<4x256x64xf32, #tpu.memory_space<vmem>> -> memref<1x256x64xf32, #tpu.memory_space<vmem>>
        %dma_start3A_434 = tpu.memref_squeeze %dma_start3A_433 : memref<1x256x64xf32, #tpu.memory_space<vmem>> -> memref<256x64xf32, #tpu.memory_space<vmem>>
        %dma_start3A_435 = arith.constant 128 : i32
        %dma_start3A_436 = arith.constant 0 : i32
        %dma_start3A_437 = tpu.memref_slice %dma_start3A_434[%dma_start3A_435, %dma_start3A_436] : memref<256x64xf32, #tpu.memory_space<vmem>> -> memref<128x64xf32, #tpu.memory_space<vmem>>
        %dma_start3A_438 = tpu.memref_slice %arg5[%add3A_428] : memref<25600xi32, #tpu.memory_space<vmem>> -> memref<128xi32, #tpu.memory_space<vmem>>
        %dma_start3A_439 = arith.constant 0 : i32
        %dma_start3A_440 = arith.constant 0 : i32
        %dma_start3A_441 = tpu.memref_slice %arg3[%dma_start3A_439, %dma_start3A_440] : memref<1000000x64xf32, #tpu.memory_space<hbm>> -> memref<1000000x64xf32, #tpu.memory_space<hbm>>
        %dma_start3A_442 = tpu.memref_slice %arg7[%dma_start3A_430] : memref<4x!tpu.dma_semaphore, #tpu.memory_space<semaphore_mem>> -> memref<1x!tpu.dma_semaphore, #tpu.memory_space<semaphore_mem>>
        %dma_start3A_443 = tpu.memref_squeeze %dma_start3A_442 : memref<1x!tpu.dma_semaphore, #tpu.memory_space<semaphore_mem>> -> memref<!tpu.dma_semaphore, #tpu.memory_space<semaphore_mem>>
        tpu.enqueue_indirect_dma source(%dma_start3A_441 : memref<1000000x64xf32, #tpu.memory_space<hbm>>) target(%dma_start3A_437 : memref<128x64xf32, #tpu.memory_space<vmem>>) offsets(%dma_start3A_438 : memref<128xi32, #tpu.memory_space<vmem>>) semaphore(%dma_start3A_443 : memref<!tpu.dma_semaphore, #tpu.memory_space<semaphore_mem>>)
      } else {
      }
      %dma_wait3A_243 = arith.constant 1 : i32
      %dma_wait3A_244 = arith.constant 1 : i32
      %dma_wait3A_245 = arith.constant 0 : i32
      %dma_wait3A_246 = arith.constant 0 : i32
      %dma_wait3A_247 = tpu.memref_slice %arg6[%dma_wait3A_243, %dma_wait3A_245, %dma_wait3A_246] : memref<4x256x64xf32, #tpu.memory_space<vmem>> -> memref<1x256x64xf32, #tpu.memory_space<vmem>>
      %dma_wait3A_248 = tpu.memref_squeeze %dma_wait3A_247 : memref<1x256x64xf32, #tpu.memory_space<vmem>> -> memref<256x64xf32, #tpu.memory_space<vmem>>
      %dma_wait3A_249 = arith.constant 0 : i32
      %dma_wait3A_250 = arith.constant 0 : i32
      %dma_wait3A_251 = tpu.memref_slice %arg4[%dma_wait3A_249, %dma_wait3A_250] : memref<819200x64xf32, #tpu.memory_space<hbm>> -> memref<256x64xf32, #tpu.memory_space<hbm>>
      %dma_wait3A_252 = tpu.memref_slice %arg7[%dma_wait3A_244] : memref<4x!tpu.dma_semaphore, #tpu.memory_space<semaphore_mem>> -> memref<1x!tpu.dma_semaphore, #tpu.memory_space<semaphore_mem>>
      %dma_wait3A_253 = tpu.memref_squeeze %dma_wait3A_252 : memref<1x!tpu.dma_semaphore, #tpu.memory_space<semaphore_mem>> -> memref<!tpu.dma_semaphore, #tpu.memory_space<semaphore_mem>>
      %dma_wait3A_254 = arith.constant 0 : i32
      %dma_wait3A_255 = arith.constant 0 : i32
      %dma_wait3A_256 = tpu.memref_slice %arg6[%dma_wait3A_243, %dma_wait3A_254, %dma_wait3A_255] : memref<4x256x64xf32, #tpu.memory_space<vmem>> -> memref<1x256x64xf32, #tpu.memory_space<vmem>>
      %dma_wait3A_257 = tpu.memref_squeeze %dma_wait3A_256 : memref<1x256x64xf32, #tpu.memory_space<vmem>> -> memref<256x64xf32, #tpu.memory_space<vmem>>
      %dma_wait3A_258 = arith.constant 0 : i32
      %dma_wait3A_259 = arith.constant 0 : i32
      %dma_wait3A_260 = tpu.memref_slice %arg4[%dma_wait3A_258, %dma_wait3A_259] : memref<819200x64xf32, #tpu.memory_space<hbm>> -> memref<256x64xf32, #tpu.memory_space<hbm>>
      tpu.wait_dma2 semaphore(%dma_wait3A_253 : memref<!tpu.dma_semaphore, #tpu.memory_space<semaphore_mem>>) src(%dma_wait3A_260 : memref<256x64xf32, #tpu.memory_space<hbm>>) dst(%dma_wait3A_257 : memref<256x64xf32, #tpu.memory_space<vmem>>)
      %scan3A_261 = arith.constant 0 : i32
      %scan3A_262 = arith.constant 0 : i32
      %scan3A_263 = arith.constant 128 : i32
      %scan3A_264 = arith.addi %scan3A_262, %scan3A_263 : i32
      %scan3A_265 = arith.constant 1 : i32
      %scan3A_266 = scf.for %scan3A_402 = %scan3A_262 to %scan3A_264 step %scan3A_265 iter_args(%scan3A_403 = %scan3A_261) -> (i32)  : i32 {
        %mul3A_404 = arith.constant 2 : i32
        %mul3A_405 = arith.muli %scan3A_402, %mul3A_404 : i32
        %add3A_406 = arith.constant 0 : i32
        %add3A_407 = arith.addi %mul3A_405, %add3A_406 : i32
        %get3A = arith.constant 1 : i32
        %get3A_408 = arith.index_cast %get3A : i32 to index
        %get3A_409 = arith.index_cast %add3A_407 : i32 to index
        %get3A_410 = arith.constant 0 : index
        %get3A_411 = tpu.vector_load %arg6[%get3A_408, %get3A_409, %get3A_410] {strides = array<i32>} : memref<4x256x64xf32, #tpu.memory_space<vmem>>, vector<1x1x16xf32>,
        %get3A_412 = vector.shape_cast %get3A_411 : vector<1x1x16xf32> to vector<16xf32>
        %mul3A_413 = arith.constant 8.000000e+00 : f32
        %mul3A_414 = vector.broadcast %mul3A_413 : f32 to vector<16xf32>
        %mul3A_415 = arith.mulf %get3A_412, %mul3A_414 : vector<16xf32>
        %mul3A_416 = arith.constant 2 : i32
        %mul3A_417 = arith.muli %scan3A_402, %mul3A_416 : i32
        %add3A_418 = arith.constant 0 : i32
        %add3A_419 = arith.addi %mul3A_417, %add3A_418 : i32
        %swap3A = arith.constant 1 : i32
        %swap3A_420 = arith.index_cast %swap3A : i32 to index
        %swap3A_421 = arith.index_cast %add3A_419 : i32 to index
        %swap3A_422 = arith.constant 0 : index
        %swap3A_423 = tpu.vector_load %arg6[%swap3A_420, %swap3A_421, %swap3A_422] {strides = array<i32>} : memref<4x256x64xf32, #tpu.memory_space<vmem>>, vector<1x1x16xf32>,
        %swap3A_424 = vector.shape_cast %swap3A_423 : vector<1x1x16xf32> to vector<16xf32>
        %swap3A_425 = vector.shape_cast %mul3A_415 : vector<16xf32> to vector<1x1x16xf32>
        tpu.vector_store %arg6[%swap3A_420, %swap3A_421, %swap3A_422], %swap3A_425 {strides = array<i32>} : memref<4x256x64xf32, #tpu.memory_space<vmem>>, vector<1x1x16xf32>,
        %mul3A_426 = arith.constant 2 : i32
        %mul3A_427 = arith.muli %scan3A_402, %mul3A_426 : i32
        %add3A_428 = arith.constant 0 : i32
        %add3A_429 = arith.addi %mul3A_427, %add3A_428 : i32
        %get3A_430 = arith.constant 1 : i32
        %get3A_431 = arith.index_cast %get3A_430 : i32 to index
        %get3A_432 = arith.index_cast %add3A_429 : i32 to index
        %get3A_433 = arith.constant 16 : index
        %get3A_434 = tpu.vector_load %arg6[%get3A_431, %get3A_432, %get3A_433] {strides = array<i32>} : memref<4x256x64xf32, #tpu.memory_space<vmem>>, vector<1x1x16xf32>,
        %get3A_435 = vector.shape_cast %get3A_434 : vector<1x1x16xf32> to vector<16xf32>
        %mul3A_436 = arith.constant 8.000000e+00 : f32
        %mul3A_437 = vector.broadcast %mul3A_436 : f32 to vector<16xf32>
        %mul3A_438 = arith.mulf %get3A_435, %mul3A_437 : vector<16xf32>
        %mul3A_439 = arith.constant 2 : i32
        %mul3A_440 = arith.muli %scan3A_402, %mul3A_439 : i32
        %add3A_441 = arith.constant 0 : i32
        %add3A_442 = arith.addi %mul3A_440, %add3A_441 : i32
        %swap3A_443 = arith.constant 1 : i32
        %swap3A_444 = arith.index_cast %swap3A_443 : i32 to index
        %swap3A_445 = arith.index_cast %add3A_442 : i32 to index
        %swap3A_446 = arith.constant 16 : index
        %swap3A_447 = tpu.vector_load %arg6[%swap3A_444, %swap3A_445, %swap3A_446] {strides = array<i32>} : memref<4x256x64xf32, #tpu.memory_space<vmem>>, vector<1x1x16xf32>,
        %swap3A_448 = vector.shape_cast %swap3A_447 : vector<1x1x16xf32> to vector<16xf32>
        %swap3A_449 = vector.shape_cast %mul3A_438 : vector<16xf32> to vector<1x1x16xf32>
        tpu.vector_store %arg6[%swap3A_444, %swap3A_445, %swap3A_446], %swap3A_449 {strides = array<i32>} : memref<4x256x64xf32, #tpu.memory_space<vmem>>, vector<1x1x16xf32>,
        %mul3A_450 = arith.constant 2 : i32
        %mul3A_451 = arith.muli %scan3A_402, %mul3A_450 : i32
        %add3A_452 = arith.constant 0 : i32
        %add3A_453 = arith.addi %mul3A_451, %add3A_452 : i32
        %get3A_454 = arith.constant 1 : i32
        %get3A_455 = arith.index_cast %get3A_454 : i32 to index
        %get3A_456 = arith.index_cast %add3A_453 : i32 to index
        %get3A_457 = arith.constant 32 : index
        %get3A_458 = tpu.vector_load %arg6[%get3A_455, %get3A_456, %get3A_457] {strides = array<i32>} : memref<4x256x64xf32, #tpu.memory_space<vmem>>, vector<1x1x16xf32>,
        %get3A_459 = vector.shape_cast %get3A_458 : vector<1x1x16xf32> to vector<16xf32>
        %mul3A_460 = arith.constant 8.000000e+00 : f32
        %mul3A_461 = vector.broadcast %mul3A_460 : f32 to vector<16xf32>
        %mul3A_462 = arith.mulf %get3A_459, %mul3A_461 : vector<16xf32>
        %mul3A_463 = arith.constant 2 : i32
        %mul3A_464 = arith.muli %scan3A_402, %mul3A_463 : i32
        %add3A_465 = arith.constant 0 : i32
        %add3A_466 = arith.addi %mul3A_464, %add3A_465 : i32
        %swap3A_467 = arith.constant 1 : i32
        %swap3A_468 = arith.index_cast %swap3A_467 : i32 to index
        %swap3A_469 = arith.index_cast %add3A_466 : i32 to index
        %swap3A_470 = arith.constant 32 : index
        %swap3A_471 = tpu.vector_load %arg6[%swap3A_468, %swap3A_469, %swap3A_470] {strides = array<i32>} : memref<4x256x64xf32, #tpu.memory_space<vmem>>, vector<1x1x16xf32>,
        %swap3A_472 = vector.shape_cast %swap3A_471 : vector<1x1x16xf32> to vector<16xf32>
        %swap3A_473 = vector.shape_cast %mul3A_462 : vector<16xf32> to vector<1x1x16xf32>
        tpu.vector_store %arg6[%swap3A_468, %swap3A_469, %swap3A_470], %swap3A_473 {strides = array<i32>} : memref<4x256x64xf32, #tpu.memory_space<vmem>>, vector<1x1x16xf32>,
        %mul3A_474 = arith.constant 2 : i32
        %mul3A_475 = arith.muli %scan3A_402, %mul3A_474 : i32
        %add3A_476 = arith.constant 0 : i32
        %add3A_477 = arith.addi %mul3A_475, %add3A_476 : i32
        %get3A_478 = arith.constant 1 : i32
        %get3A_479 = arith.index_cast %get3A_478 : i32 to index
        %get3A_480 = arith.index_cast %add3A_477 : i32 to index
        %get3A_481 = arith.constant 48 : index
        %get3A_482 = tpu.vector_load %arg6[%get3A_479, %get3A_480, %get3A_481] {strides = array<i32>} : memref<4x256x64xf32, #tpu.memory_space<vmem>>, vector<1x1x16xf32>,
        %get3A_483 = vector.shape_cast %get3A_482 : vector<1x1x16xf32> to vector<16xf32>
        %mul3A_484 = arith.constant 8.000000e+00 : f32
        %mul3A_485 = vector.broadcast %mul3A_484 : f32 to vector<16xf32>
        %mul3A_486 = arith.mulf %get3A_483, %mul3A_485 : vector<16xf32>
        %mul3A_487 = arith.constant 2 : i32
        %mul3A_488 = arith.muli %scan3A_402, %mul3A_487 : i32
        %add3A_489 = arith.constant 0 : i32
        %add3A_490 = arith.addi %mul3A_488, %add3A_489 : i32
        %swap3A_491 = arith.constant 1 : i32
        %swap3A_492 = arith.index_cast %swap3A_491 : i32 to index
        %swap3A_493 = arith.index_cast %add3A_490 : i32 to index
        %swap3A_494 = arith.constant 48 : index
        %swap3A_495 = tpu.vector_load %arg6[%swap3A_492, %swap3A_493, %swap3A_494] {strides = array<i32>} : memref<4x256x64xf32, #tpu.memory_space<vmem>>, vector<1x1x16xf32>,
        %swap3A_496 = vector.shape_cast %swap3A_495 : vector<1x1x16xf32> to vector<16xf32>
        %swap3A_497 = vector.shape_cast %mul3A_486 : vector<16xf32> to vector<1x1x16xf32>
        tpu.vector_store %arg6[%swap3A_492, %swap3A_493, %swap3A_494], %swap3A_497 {strides = array<i32>} : memref<4x256x64xf32, #tpu.memory_space<vmem>>, vector<1x1x16xf32>,
        %mul3A_498 = arith.constant 2 : i32
        %mul3A_499 = arith.muli %scan3A_402, %mul3A_498 : i32
        %add3A_500 = arith.constant 1 : i32
        %add3A_501 = arith.addi %mul3A_499, %add3A_500 : i32
        %get3A_502 = arith.constant 1 : i32
        %get3A_503 = arith.index_cast %get3A_502 : i32 to index
        %get3A_504 = arith.index_cast %add3A_501 : i32 to index
        %get3A_505 = arith.constant 0 : index
        %get3A_506 = tpu.vector_load %arg6[%get3A_503, %get3A_504, %get3A_505] {strides = array<i32>} : memref<4x256x64xf32, #tpu.memory_space<vmem>>, vector<1x1x16xf32>,
        %get3A_507 = vector.shape_cast %get3A_506 : vector<1x1x16xf32> to vector<16xf32>
        %mul3A_508 = arith.constant 8.000000e+00 : f32
        %mul3A_509 = vector.broadcast %mul3A_508 : f32 to vector<16xf32>
        %mul3A_510 = arith.mulf %get3A_507, %mul3A_509 : vector<16xf32>
        %mul3A_511 = arith.constant 2 : i32
        %mul3A_512 = arith.muli %scan3A_402, %mul3A_511 : i32
        %add3A_513 = arith.constant 1 : i32
        %add3A_514 = arith.addi %mul3A_512, %add3A_513 : i32
        %swap3A_515 = arith.constant 1 : i32
        %swap3A_516 = arith.index_cast %swap3A_515 : i32 to index
        %swap3A_517 = arith.index_cast %add3A_514 : i32 to index
        %swap3A_518 = arith.constant 0 : index
        %swap3A_519 = tpu.vector_load %arg6[%swap3A_516, %swap3A_517, %swap3A_518] {strides = array<i32>} : memref<4x256x64xf32, #tpu.memory_space<vmem>>, vector<1x1x16xf32>,
        %swap3A_520 = vector.shape_cast %swap3A_519 : vector<1x1x16xf32> to vector<16xf32>
        %swap3A_521 = vector.shape_cast %mul3A_510 : vector<16xf32> to vector<1x1x16xf32>
        tpu.vector_store %arg6[%swap3A_516, %swap3A_517, %swap3A_518], %swap3A_521 {strides = array<i32>} : memref<4x256x64xf32, #tpu.memory_space<vmem>>, vector<1x1x16xf32>,
        %mul3A_522 = arith.constant 2 : i32
        %mul3A_523 = arith.muli %scan3A_402, %mul3A_522 : i32
        %add3A_524 = arith.constant 1 : i32
        %add3A_525 = arith.addi %mul3A_523, %add3A_524 : i32
        %get3A_526 = arith.constant 1 : i32
        %get3A_527 = arith.index_cast %get3A_526 : i32 to index
        %get3A_528 = arith.index_cast %add3A_525 : i32 to index
        %get3A_529 = arith.constant 16 : index
        %get3A_530 = tpu.vector_load %arg6[%get3A_527, %get3A_528, %get3A_529] {strides = array<i32>} : memref<4x256x64xf32, #tpu.memory_space<vmem>>, vector<1x1x16xf32>,
        %get3A_531 = vector.shape_cast %get3A_530 : vector<1x1x16xf32> to vector<16xf32>
        %mul3A_532 = arith.constant 8.000000e+00 : f32
        %mul3A_533 = vector.broadcast %mul3A_532 : f32 to vector<16xf32>
        %mul3A_534 = arith.mulf %get3A_531, %mul3A_533 : vector<16xf32>
        %mul3A_535 = arith.constant 2 : i32
        %mul3A_536 = arith.muli %scan3A_402, %mul3A_535 : i32
        %add3A_537 = arith.constant 1 : i32
        %add3A_538 = arith.addi %mul3A_536, %add3A_537 : i32
        %swap3A_539 = arith.constant 1 : i32
        %swap3A_540 = arith.index_cast %swap3A_539 : i32 to index
        %swap3A_541 = arith.index_cast %add3A_538 : i32 to index
        %swap3A_542 = arith.constant 16 : index
        %swap3A_543 = tpu.vector_load %arg6[%swap3A_540, %swap3A_541, %swap3A_542] {strides = array<i32>} : memref<4x256x64xf32, #tpu.memory_space<vmem>>, vector<1x1x16xf32>,
        %swap3A_544 = vector.shape_cast %swap3A_543 : vector<1x1x16xf32> to vector<16xf32>
        %swap3A_545 = vector.shape_cast %mul3A_534 : vector<16xf32> to vector<1x1x16xf32>
        tpu.vector_store %arg6[%swap3A_540, %swap3A_541, %swap3A_542], %swap3A_545 {strides = array<i32>} : memref<4x256x64xf32, #tpu.memory_space<vmem>>, vector<1x1x16xf32>,
        %mul3A_546 = arith.constant 2 : i32
        %mul3A_547 = arith.muli %scan3A_402, %mul3A_546 : i32
        %add3A_548 = arith.constant 1 : i32
        %add3A_549 = arith.addi %mul3A_547, %add3A_548 : i32
        %get3A_550 = arith.constant 1 : i32
        %get3A_551 = arith.index_cast %get3A_550 : i32 to index
        %get3A_552 = arith.index_cast %add3A_549 : i32 to index
        %get3A_553 = arith.constant 32 : index
        %get3A_554 = tpu.vector_load %arg6[%get3A_551, %get3A_552, %get3A_553] {strides = array<i32>} : memref<4x256x64xf32, #tpu.memory_space<vmem>>, vector<1x1x16xf32>,
        %get3A_555 = vector.shape_cast %get3A_554 : vector<1x1x16xf32> to vector<16xf32>
        %mul3A_556 = arith.constant 8.000000e+00 : f32
        %mul3A_557 = vector.broadcast %mul3A_556 : f32 to vector<16xf32>
        %mul3A_558 = arith.mulf %get3A_555, %mul3A_557 : vector<16xf32>
        %mul3A_559 = arith.constant 2 : i32
        %mul3A_560 = arith.muli %scan3A_402, %mul3A_559 : i32
        %add3A_561 = arith.constant 1 : i32
        %add3A_562 = arith.addi %mul3A_560, %add3A_561 : i32
        %swap3A_563 = arith.constant 1 : i32
        %swap3A_564 = arith.index_cast %swap3A_563 : i32 to index
        %swap3A_565 = arith.index_cast %add3A_562 : i32 to index
        %swap3A_566 = arith.constant 32 : index
        %swap3A_567 = tpu.vector_load %arg6[%swap3A_564, %swap3A_565, %swap3A_566] {strides = array<i32>} : memref<4x256x64xf32, #tpu.memory_space<vmem>>, vector<1x1x16xf32>,
        %swap3A_568 = vector.shape_cast %swap3A_567 : vector<1x1x16xf32> to vector<16xf32>
        %swap3A_569 = vector.shape_cast %mul3A_558 : vector<16xf32> to vector<1x1x16xf32>
        tpu.vector_store %arg6[%swap3A_564, %swap3A_565, %swap3A_566], %swap3A_569 {strides = array<i32>} : memref<4x256x64xf32, #tpu.memory_space<vmem>>, vector<1x1x16xf32>,
        %mul3A_570 = arith.constant 2 : i32
        %mul3A_571 = arith.muli %scan3A_402, %mul3A_570 : i32
        %add3A_572 = arith.constant 1 : i32
        %add3A_573 = arith.addi %mul3A_571, %add3A_572 : i32
        %get3A_574 = arith.constant 1 : i32
        %get3A_575 = arith.index_cast %get3A_574 : i32 to index
        %get3A_576 = arith.index_cast %add3A_573 : i32 to index
        %get3A_577 = arith.constant 48 : index
        %get3A_578 = tpu.vector_load %arg6[%get3A_575, %get3A_576, %get3A_577] {strides = array<i32>} : memref<4x256x64xf32, #tpu.memory_space<vmem>>, vector<1x1x16xf32>,
        %get3A_579 = vector.shape_cast %get3A_578 : vector<1x1x16xf32> to vector<16xf32>
        %mul3A_580 = arith.constant 8.000000e+00 : f32
        %mul3A_581 = vector.broadcast %mul3A_580 : f32 to vector<16xf32>
        %mul3A_582 = arith.mulf %get3A_579, %mul3A_581 : vector<16xf32>
        %mul3A_583 = arith.constant 2 : i32
        %mul3A_584 = arith.muli %scan3A_402, %mul3A_583 : i32
        %add3A_585 = arith.constant 1 : i32
        %add3A_586 = arith.addi %mul3A_584, %add3A_585 : i32
        %swap3A_587 = arith.constant 1 : i32
        %swap3A_588 = arith.index_cast %swap3A_587 : i32 to index
        %swap3A_589 = arith.index_cast %add3A_586 : i32 to index
        %swap3A_590 = arith.constant 48 : index
        %swap3A_591 = tpu.vector_load %arg6[%swap3A_588, %swap3A_589, %swap3A_590] {strides = array<i32>} : memref<4x256x64xf32, #tpu.memory_space<vmem>>, vector<1x1x16xf32>,
        %swap3A_592 = vector.shape_cast %swap3A_591 : vector<1x1x16xf32> to vector<16xf32>
        %swap3A_593 = vector.shape_cast %mul3A_582 : vector<16xf32> to vector<1x1x16xf32>
        tpu.vector_store %arg6[%swap3A_588, %swap3A_589, %swap3A_590], %swap3A_593 {strides = array<i32>} : memref<4x256x64xf32, #tpu.memory_space<vmem>>, vector<1x1x16xf32>,
        %scan3A_594 = arith.constant 0 : i32
        scf.yield %scan3A_594 : i32
      }
      %scan3A_267 = arith.constant 128 : i32
      %mul3A_268 = arith.constant 256 : i32
      %mul3A_269 = arith.muli %add3A_233, %mul3A_268 : i32
      %add3A_270 = arith.addi %mul3A_2, %mul3A_269 : i32
      %dma_start3A_271 = arith.constant 1 : i32
      %dma_start3A_272 = arith.constant 1 : i32
      %dma_start3A_273 = arith.constant 0 : i32
      %dma_start3A_274 = arith.constant 0 : i32
      %dma_start3A_275 = tpu.memref_slice %arg6[%dma_start3A_271, %dma_start3A_273, %dma_start3A_274] : memref<4x256x64xf32, #tpu.memory_space<vmem>> -> memref<1x256x64xf32, #tpu.memory_space<vmem>>
      %dma_start3A_276 = tpu.memref_squeeze %dma_start3A_275 : memref<1x256x64xf32, #tpu.memory_space<vmem>> -> memref<256x64xf32, #tpu.memory_space<vmem>>
      %dma_start3A_277 = arith.constant 0 : i32
      %dma_start3A_278 = tpu.memref_slice %arg4[%add3A_270, %dma_start3A_277] : memref<819200x64xf32, #tpu.memory_space<hbm>> -> memref<256x64xf32, #tpu.memory_space<hbm>>
      %dma_start3A_279 = tpu.memref_slice %arg8[%dma_start3A_272] : memref<4x!tpu.dma_semaphore, #tpu.memory_space<semaphore_mem>> -> memref<1x!tpu.dma_semaphore, #tpu.memory_space<semaphore_mem>>
      %dma_start3A_280 = tpu.memref_squeeze %dma_start3A_279 : memref<1x!tpu.dma_semaphore, #tpu.memory_space<semaphore_mem>> -> memref<!tpu.dma_semaphore, #tpu.memory_space<semaphore_mem>>
      %dma_start3A_281 = arith.constant 0 : i32
      %dma_start3A_282 = tpu.memref_slice %arg4[%add3A_270, %dma_start3A_281] : memref<819200x64xf32, #tpu.memory_space<hbm>> -> memref<256x64xf32, #tpu.memory_space<hbm>>
      %dma_start3A_283 = arith.constant 0 : i32
      %dma_start3A_284 = arith.constant 0 : i32
      %dma_start3A_285 = tpu.memref_slice %arg6[%dma_start3A_271, %dma_start3A_283, %dma_start3A_284] : memref<4x256x64xf32, #tpu.memory_space<vmem>> -> memref<1x256x64xf32, #tpu.memory_space<vmem>>
      %dma_start3A_286 = tpu.memref_squeeze %dma_start3A_285 : memref<1x256x64xf32, #tpu.memory_space<vmem>> -> memref<256x64xf32, #tpu.memory_space<vmem>>
      tpu.enqueue_dma source(%dma_start3A_286 : memref<256x64xf32, #tpu.memory_space<vmem>>) target(%dma_start3A_282 : memref<256x64xf32, #tpu.memory_space<hbm>>) target_semaphore(%dma_start3A_280 : memref<!tpu.dma_semaphore, #tpu.memory_space<semaphore_mem>>)
      %mul3A_287 = arith.constant 4 : i32
      %mul3A_288 = arith.muli %scan3A_175, %mul3A_287 : i32
      %add3A_289 = arith.constant 2 : i32
      %add3A_290 = arith.addi %mul3A_288, %add3A_289 : i32
      %add3A_291 = arith.constant 4 : i32
      %add3A_292 = arith.addi %add3A_290, %add3A_291 : i32
      %sub3A_293 = arith.constant 1 : i32
      %sub3A_294 = arith.subi %add3A_292, %sub3A_293 : i32
      %lt3A_295 = arith.constant 100 : i32
      %lt3A_296 = arith.cmpi slt, %sub3A_294, %lt3A_295 : i32
      %convert_element_type3A_297 = arith.extui %lt3A_296 : i1 to i32
      %cond3A_298 = arith.constant 0 : i32
      %cond3A_299 = arith.cmpi ne, %convert_element_type3A_297, %cond3A_298 : i32
      scf.if %cond3A_299 {
        %ge3A = arith.constant 1 : i32
        %ge3A_402 = arith.cmpi sge, %add3A_290, %ge3A : i32
        %convert_element_type3A_403 = arith.extui %ge3A_402 : i1 to i32
        %cond3A_404 = arith.constant 0 : i32
        %cond3A_405 = arith.cmpi ne, %convert_element_type3A_403, %cond3A_404 : i32
        scf.if %cond3A_405 {
          %dma_wait3A_444 = arith.constant 1 : i32
          %dma_wait3A_445 = arith.constant 1 : i32
          %dma_wait3A_446 = arith.constant 0 : i32
          %dma_wait3A_447 = arith.constant 0 : i32
          %dma_wait3A_448 = tpu.memref_slice %arg6[%dma_wait3A_444, %dma_wait3A_446, %dma_wait3A_447] : memref<4x256x64xf32, #tpu.memory_space<vmem>> -> memref<1x256x64xf32, #tpu.memory_space<vmem>>
          %dma_wait3A_449 = tpu.memref_squeeze %dma_wait3A_448 : memref<1x256x64xf32, #tpu.memory_space<vmem>> -> memref<256x64xf32, #tpu.memory_space<vmem>>
          %dma_wait3A_450 = arith.constant 0 : i32
          %dma_wait3A_451 = arith.constant 0 : i32
          %dma_wait3A_452 = tpu.memref_slice %arg4[%dma_wait3A_450, %dma_wait3A_451] : memref<819200x64xf32, #tpu.memory_space<hbm>> -> memref<256x64xf32, #tpu.memory_space<hbm>>
          %dma_wait3A_453 = tpu.memref_slice %arg8[%dma_wait3A_445] : memref<4x!tpu.dma_semaphore, #tpu.memory_space<semaphore_mem>> -> memref<1x!tpu.dma_semaphore, #tpu.memory_space<semaphore_mem>>
          %dma_wait3A_454 = tpu.memref_squeeze %dma_wait3A_453 : memref<1x!tpu.dma_semaphore, #tpu.memory_space<semaphore_mem>> -> memref<!tpu.dma_semaphore, #tpu.memory_space<semaphore_mem>>
          %dma_wait3A_455 = arith.constant 0 : i32
          %dma_wait3A_456 = arith.constant 0 : i32
          %dma_wait3A_457 = tpu.memref_slice %arg6[%dma_wait3A_444, %dma_wait3A_455, %dma_wait3A_456] : memref<4x256x64xf32, #tpu.memory_space<vmem>> -> memref<1x256x64xf32, #tpu.memory_space<vmem>>
          %dma_wait3A_458 = tpu.memref_squeeze %dma_wait3A_457 : memref<1x256x64xf32, #tpu.memory_space<vmem>> -> memref<256x64xf32, #tpu.memory_space<vmem>>
          %dma_wait3A_459 = arith.constant 0 : i32
          %dma_wait3A_460 = arith.constant 0 : i32
          %dma_wait3A_461 = tpu.memref_slice %arg4[%dma_wait3A_459, %dma_wait3A_460] : memref<819200x64xf32, #tpu.memory_space<hbm>> -> memref<256x64xf32, #tpu.memory_space<hbm>>
          tpu.wait_dma2 semaphore(%dma_wait3A_454 : memref<!tpu.dma_semaphore, #tpu.memory_space<semaphore_mem>>) src(%dma_wait3A_461 : memref<256x64xf32, #tpu.memory_space<hbm>>) dst(%dma_wait3A_458 : memref<256x64xf32, #tpu.memory_space<vmem>>)
        } else {
        }
        %mul3A_406 = arith.constant 256 : i32
        %mul3A_407 = arith.muli %sub3A_294, %mul3A_406 : i32
        %add3A_408 = arith.constant 0 : i32
        %add3A_409 = arith.addi %mul3A_407, %add3A_408 : i32
        %dma_start3A_410 = arith.constant 1 : i32
        %dma_start3A_411 = arith.constant 1 : i32
        %dma_start3A_412 = arith.constant 0 : i32
        %dma_start3A_413 = arith.constant 0 : i32
        %dma_start3A_414 = tpu.memref_slice %arg6[%dma_start3A_410, %dma_start3A_412, %dma_start3A_413] : memref<4x256x64xf32, #tpu.memory_space<vmem>> -> memref<1x256x64xf32, #tpu.memory_space<vmem>>
        %dma_start3A_415 = tpu.memref_squeeze %dma_start3A_414 : memref<1x256x64xf32, #tpu.memory_space<vmem>> -> memref<256x64xf32, #tpu.memory_space<vmem>>
        %dma_start3A_416 = arith.constant 0 : i32
        %dma_start3A_417 = arith.constant 0 : i32
        %dma_start3A_418 = tpu.memref_slice %dma_start3A_415[%dma_start3A_416, %dma_start3A_417] : memref<256x64xf32, #tpu.memory_space<vmem>> -> memref<128x64xf32, #tpu.memory_space<vmem>>
        %dma_start3A_419 = tpu.memref_slice %arg5[%add3A_409] : memref<25600xi32, #tpu.memory_space<vmem>> -> memref<128xi32, #tpu.memory_space<vmem>>
        %dma_start3A_420 = arith.constant 0 : i32
        %dma_start3A_421 = arith.constant 0 : i32
        %dma_start3A_422 = tpu.memref_slice %arg3[%dma_start3A_420, %dma_start3A_421] : memref<1000000x64xf32, #tpu.memory_space<hbm>> -> memref<1000000x64xf32, #tpu.memory_space<hbm>>
        %dma_start3A_423 = tpu.memref_slice %arg7[%dma_start3A_411] : memref<4x!tpu.dma_semaphore, #tpu.memory_space<semaphore_mem>> -> memref<1x!tpu.dma_semaphore, #tpu.memory_space<semaphore_mem>>
        %dma_start3A_424 = tpu.memref_squeeze %dma_start3A_423 : memref<1x!tpu.dma_semaphore, #tpu.memory_space<semaphore_mem>> -> memref<!tpu.dma_semaphore, #tpu.memory_space<semaphore_mem>>
        tpu.enqueue_indirect_dma source(%dma_start3A_422 : memref<1000000x64xf32, #tpu.memory_space<hbm>>) target(%dma_start3A_418 : memref<128x64xf32, #tpu.memory_space<vmem>>) offsets(%dma_start3A_419 : memref<128xi32, #tpu.memory_space<vmem>>) semaphore(%dma_start3A_424 : memref<!tpu.dma_semaphore, #tpu.memory_space<semaphore_mem>>)
        %mul3A_425 = arith.constant 256 : i32
        %mul3A_426 = arith.muli %sub3A_294, %mul3A_425 : i32
        %add3A_427 = arith.constant 128 : i32
        %add3A_428 = arith.addi %mul3A_426, %add3A_427 : i32
        %dma_start3A_429 = arith.constant 1 : i32
        %dma_start3A_430 = arith.constant 1 : i32
        %dma_start3A_431 = arith.constant 0 : i32
        %dma_start3A_432 = arith.constant 0 : i32
        %dma_start3A_433 = tpu.memref_slice %arg6[%dma_start3A_429, %dma_start3A_431, %dma_start3A_432] : memref<4x256x64xf32, #tpu.memory_space<vmem>> -> memref<1x256x64xf32, #tpu.memory_space<vmem>>
        %dma_start3A_434 = tpu.memref_squeeze %dma_start3A_433 : memref<1x256x64xf32, #tpu.memory_space<vmem>> -> memref<256x64xf32, #tpu.memory_space<vmem>>
        %dma_start3A_435 = arith.constant 128 : i32
        %dma_start3A_436 = arith.constant 0 : i32
        %dma_start3A_437 = tpu.memref_slice %dma_start3A_434[%dma_start3A_435, %dma_start3A_436] : memref<256x64xf32, #tpu.memory_space<vmem>> -> memref<128x64xf32, #tpu.memory_space<vmem>>
        %dma_start3A_438 = tpu.memref_slice %arg5[%add3A_428] : memref<25600xi32, #tpu.memory_space<vmem>> -> memref<128xi32, #tpu.memory_space<vmem>>
        %dma_start3A_439 = arith.constant 0 : i32
        %dma_start3A_440 = arith.constant 0 : i32
        %dma_start3A_441 = tpu.memref_slice %arg3[%dma_start3A_439, %dma_start3A_440] : memref<1000000x64xf32, #tpu.memory_space<hbm>> -> memref<1000000x64xf32, #tpu.memory_space<hbm>>
        %dma_start3A_442 = tpu.memref_slice %arg7[%dma_start3A_430] : memref<4x!tpu.dma_semaphore, #tpu.memory_space<semaphore_mem>> -> memref<1x!tpu.dma_semaphore, #tpu.memory_space<semaphore_mem>>
        %dma_start3A_443 = tpu.memref_squeeze %dma_start3A_442 : memref<1x!tpu.dma_semaphore, #tpu.memory_space<semaphore_mem>> -> memref<!tpu.dma_semaphore, #tpu.memory_space<semaphore_mem>>
        tpu.enqueue_indirect_dma source(%dma_start3A_441 : memref<1000000x64xf32, #tpu.memory_space<hbm>>) target(%dma_start3A_437 : memref<128x64xf32, #tpu.memory_space<vmem>>) offsets(%dma_start3A_438 : memref<128xi32, #tpu.memory_space<vmem>>) semaphore(%dma_start3A_443 : memref<!tpu.dma_semaphore, #tpu.memory_space<semaphore_mem>>)
      } else {
      }
      %dma_wait3A_300 = arith.constant 2 : i32
      %dma_wait3A_301 = arith.constant 2 : i32
      %dma_wait3A_302 = arith.constant 0 : i32
      %dma_wait3A_303 = arith.constant 0 : i32
      %dma_wait3A_304 = tpu.memref_slice %arg6[%dma_wait3A_300, %dma_wait3A_302, %dma_wait3A_303] : memref<4x256x64xf32, #tpu.memory_space<vmem>> -> memref<1x256x64xf32, #tpu.memory_space<vmem>>
      %dma_wait3A_305 = tpu.memref_squeeze %dma_wait3A_304 : memref<1x256x64xf32, #tpu.memory_space<vmem>> -> memref<256x64xf32, #tpu.memory_space<vmem>>
      %dma_wait3A_306 = arith.constant 0 : i32
      %dma_wait3A_307 = arith.constant 0 : i32
      %dma_wait3A_308 = tpu.memref_slice %arg4[%dma_wait3A_306, %dma_wait3A_307] : memref<819200x64xf32, #tpu.memory_space<hbm>> -> memref<256x64xf32, #tpu.memory_space<hbm>>
      %dma_wait3A_309 = tpu.memref_slice %arg7[%dma_wait3A_301] : memref<4x!tpu.dma_semaphore, #tpu.memory_space<semaphore_mem>> -> memref<1x!tpu.dma_semaphore, #tpu.memory_space<semaphore_mem>>
      %dma_wait3A_310 = tpu.memref_squeeze %dma_wait3A_309 : memref<1x!tpu.dma_semaphore, #tpu.memory_space<semaphore_mem>> -> memref<!tpu.dma_semaphore, #tpu.memory_space<semaphore_mem>>
      %dma_wait3A_311 = arith.constant 0 : i32
      %dma_wait3A_312 = arith.constant 0 : i32
      %dma_wait3A_313 = tpu.memref_slice %arg6[%dma_wait3A_300, %dma_wait3A_311, %dma_wait3A_312] : memref<4x256x64xf32, #tpu.memory_space<vmem>> -> memref<1x256x64xf32, #tpu.memory_space<vmem>>
      %dma_wait3A_314 = tpu.memref_squeeze %dma_wait3A_313 : memref<1x256x64xf32, #tpu.memory_space<vmem>> -> memref<256x64xf32, #tpu.memory_space<vmem>>
      %dma_wait3A_315 = arith.constant 0 : i32
      %dma_wait3A_316 = arith.constant 0 : i32
      %dma_wait3A_317 = tpu.memref_slice %arg4[%dma_wait3A_315, %dma_wait3A_316] : memref<819200x64xf32, #tpu.memory_space<hbm>> -> memref<256x64xf32, #tpu.memory_space<hbm>>
      tpu.wait_dma2 semaphore(%dma_wait3A_310 : memref<!tpu.dma_semaphore, #tpu.memory_space<semaphore_mem>>) src(%dma_wait3A_317 : memref<256x64xf32, #tpu.memory_space<hbm>>) dst(%dma_wait3A_314 : memref<256x64xf32, #tpu.memory_space<vmem>>)
      %scan3A_318 = arith.constant 0 : i32
      %scan3A_319 = arith.constant 0 : i32
      %scan3A_320 = arith.constant 128 : i32
      %scan3A_321 = arith.addi %scan3A_319, %scan3A_320 : i32
      %scan3A_322 = arith.constant 1 : i32
      %scan3A_323 = scf.for %scan3A_402 = %scan3A_319 to %scan3A_321 step %scan3A_322 iter_args(%scan3A_403 = %scan3A_318) -> (i32)  : i32 {
        %mul3A_404 = arith.constant 2 : i32
        %mul3A_405 = arith.muli %scan3A_402, %mul3A_404 : i32
        %add3A_406 = arith.constant 0 : i32
        %add3A_407 = arith.addi %mul3A_405, %add3A_406 : i32
        %get3A = arith.constant 2 : i32
        %get3A_408 = arith.index_cast %get3A : i32 to index
        %get3A_409 = arith.index_cast %add3A_407 : i32 to index
        %get3A_410 = arith.constant 0 : index
        %get3A_411 = tpu.vector_load %arg6[%get3A_408, %get3A_409, %get3A_410] {strides = array<i32>} : memref<4x256x64xf32, #tpu.memory_space<vmem>>, vector<1x1x16xf32>,
        %get3A_412 = vector.shape_cast %get3A_411 : vector<1x1x16xf32> to vector<16xf32>
        %mul3A_413 = arith.constant 8.000000e+00 : f32
        %mul3A_414 = vector.broadcast %mul3A_413 : f32 to vector<16xf32>
        %mul3A_415 = arith.mulf %get3A_412, %mul3A_414 : vector<16xf32>
        %mul3A_416 = arith.constant 2 : i32
        %mul3A_417 = arith.muli %scan3A_402, %mul3A_416 : i32
        %add3A_418 = arith.constant 0 : i32
        %add3A_419 = arith.addi %mul3A_417, %add3A_418 : i32
        %swap3A = arith.constant 2 : i32
        %swap3A_420 = arith.index_cast %swap3A : i32 to index
        %swap3A_421 = arith.index_cast %add3A_419 : i32 to index
        %swap3A_422 = arith.constant 0 : index
        %swap3A_423 = tpu.vector_load %arg6[%swap3A_420, %swap3A_421, %swap3A_422] {strides = array<i32>} : memref<4x256x64xf32, #tpu.memory_space<vmem>>, vector<1x1x16xf32>,
        %swap3A_424 = vector.shape_cast %swap3A_423 : vector<1x1x16xf32> to vector<16xf32>
        %swap3A_425 = vector.shape_cast %mul3A_415 : vector<16xf32> to vector<1x1x16xf32>
        tpu.vector_store %arg6[%swap3A_420, %swap3A_421, %swap3A_422], %swap3A_425 {strides = array<i32>} : memref<4x256x64xf32, #tpu.memory_space<vmem>>, vector<1x1x16xf32>,
        %mul3A_426 = arith.constant 2 : i32
        %mul3A_427 = arith.muli %scan3A_402, %mul3A_426 : i32
        %add3A_428 = arith.constant 0 : i32
        %add3A_429 = arith.addi %mul3A_427, %add3A_428 : i32
        %get3A_430 = arith.constant 2 : i32
        %get3A_431 = arith.index_cast %get3A_430 : i32 to index
        %get3A_432 = arith.index_cast %add3A_429 : i32 to index
        %get3A_433 = arith.constant 16 : index
        %get3A_434 = tpu.vector_load %arg6[%get3A_431, %get3A_432, %get3A_433] {strides = array<i32>} : memref<4x256x64xf32, #tpu.memory_space<vmem>>, vector<1x1x16xf32>,
        %get3A_435 = vector.shape_cast %get3A_434 : vector<1x1x16xf32> to vector<16xf32>
        %mul3A_436 = arith.constant 8.000000e+00 : f32
        %mul3A_437 = vector.broadcast %mul3A_436 : f32 to vector<16xf32>
        %mul3A_438 = arith.mulf %get3A_435, %mul3A_437 : vector<16xf32>
        %mul3A_439 = arith.constant 2 : i32
        %mul3A_440 = arith.muli %scan3A_402, %mul3A_439 : i32
        %add3A_441 = arith.constant 0 : i32
        %add3A_442 = arith.addi %mul3A_440, %add3A_441 : i32
        %swap3A_443 = arith.constant 2 : i32
        %swap3A_444 = arith.index_cast %swap3A_443 : i32 to index
        %swap3A_445 = arith.index_cast %add3A_442 : i32 to index
        %swap3A_446 = arith.constant 16 : index
        %swap3A_447 = tpu.vector_load %arg6[%swap3A_444, %swap3A_445, %swap3A_446] {strides = array<i32>} : memref<4x256x64xf32, #tpu.memory_space<vmem>>, vector<1x1x16xf32>,
        %swap3A_448 = vector.shape_cast %swap3A_447 : vector<1x1x16xf32> to vector<16xf32>
        %swap3A_449 = vector.shape_cast %mul3A_438 : vector<16xf32> to vector<1x1x16xf32>
        tpu.vector_store %arg6[%swap3A_444, %swap3A_445, %swap3A_446], %swap3A_449 {strides = array<i32>} : memref<4x256x64xf32, #tpu.memory_space<vmem>>, vector<1x1x16xf32>,
        %mul3A_450 = arith.constant 2 : i32
        %mul3A_451 = arith.muli %scan3A_402, %mul3A_450 : i32
        %add3A_452 = arith.constant 0 : i32
        %add3A_453 = arith.addi %mul3A_451, %add3A_452 : i32
        %get3A_454 = arith.constant 2 : i32
        %get3A_455 = arith.index_cast %get3A_454 : i32 to index
        %get3A_456 = arith.index_cast %add3A_453 : i32 to index
        %get3A_457 = arith.constant 32 : index
        %get3A_458 = tpu.vector_load %arg6[%get3A_455, %get3A_456, %get3A_457] {strides = array<i32>} : memref<4x256x64xf32, #tpu.memory_space<vmem>>, vector<1x1x16xf32>,
        %get3A_459 = vector.shape_cast %get3A_458 : vector<1x1x16xf32> to vector<16xf32>
        %mul3A_460 = arith.constant 8.000000e+00 : f32
        %mul3A_461 = vector.broadcast %mul3A_460 : f32 to vector<16xf32>
        %mul3A_462 = arith.mulf %get3A_459, %mul3A_461 : vector<16xf32>
        %mul3A_463 = arith.constant 2 : i32
        %mul3A_464 = arith.muli %scan3A_402, %mul3A_463 : i32
        %add3A_465 = arith.constant 0 : i32
        %add3A_466 = arith.addi %mul3A_464, %add3A_465 : i32
        %swap3A_467 = arith.constant 2 : i32
        %swap3A_468 = arith.index_cast %swap3A_467 : i32 to index
        %swap3A_469 = arith.index_cast %add3A_466 : i32 to index
        %swap3A_470 = arith.constant 32 : index
        %swap3A_471 = tpu.vector_load %arg6[%swap3A_468, %swap3A_469, %swap3A_470] {strides = array<i32>} : memref<4x256x64xf32, #tpu.memory_space<vmem>>, vector<1x1x16xf32>,
        %swap3A_472 = vector.shape_cast %swap3A_471 : vector<1x1x16xf32> to vector<16xf32>
        %swap3A_473 = vector.shape_cast %mul3A_462 : vector<16xf32> to vector<1x1x16xf32>
        tpu.vector_store %arg6[%swap3A_468, %swap3A_469, %swap3A_470], %swap3A_473 {strides = array<i32>} : memref<4x256x64xf32, #tpu.memory_space<vmem>>, vector<1x1x16xf32>,
        %mul3A_474 = arith.constant 2 : i32
        %mul3A_475 = arith.muli %scan3A_402, %mul3A_474 : i32
        %add3A_476 = arith.constant 0 : i32
        %add3A_477 = arith.addi %mul3A_475, %add3A_476 : i32
        %get3A_478 = arith.constant 2 : i32
        %get3A_479 = arith.index_cast %get3A_478 : i32 to index
        %get3A_480 = arith.index_cast %add3A_477 : i32 to index
        %get3A_481 = arith.constant 48 : index
        %get3A_482 = tpu.vector_load %arg6[%get3A_479, %get3A_480, %get3A_481] {strides = array<i32>} : memref<4x256x64xf32, #tpu.memory_space<vmem>>, vector<1x1x16xf32>,
        %get3A_483 = vector.shape_cast %get3A_482 : vector<1x1x16xf32> to vector<16xf32>
        %mul3A_484 = arith.constant 8.000000e+00 : f32
        %mul3A_485 = vector.broadcast %mul3A_484 : f32 to vector<16xf32>
        %mul3A_486 = arith.mulf %get3A_483, %mul3A_485 : vector<16xf32>
        %mul3A_487 = arith.constant 2 : i32
        %mul3A_488 = arith.muli %scan3A_402, %mul3A_487 : i32
        %add3A_489 = arith.constant 0 : i32
        %add3A_490 = arith.addi %mul3A_488, %add3A_489 : i32
        %swap3A_491 = arith.constant 2 : i32
        %swap3A_492 = arith.index_cast %swap3A_491 : i32 to index
        %swap3A_493 = arith.index_cast %add3A_490 : i32 to index
        %swap3A_494 = arith.constant 48 : index
        %swap3A_495 = tpu.vector_load %arg6[%swap3A_492, %swap3A_493, %swap3A_494] {strides = array<i32>} : memref<4x256x64xf32, #tpu.memory_space<vmem>>, vector<1x1x16xf32>,
        %swap3A_496 = vector.shape_cast %swap3A_495 : vector<1x1x16xf32> to vector<16xf32>
        %swap3A_497 = vector.shape_cast %mul3A_486 : vector<16xf32> to vector<1x1x16xf32>
        tpu.vector_store %arg6[%swap3A_492, %swap3A_493, %swap3A_494], %swap3A_497 {strides = array<i32>} : memref<4x256x64xf32, #tpu.memory_space<vmem>>, vector<1x1x16xf32>,
        %mul3A_498 = arith.constant 2 : i32
        %mul3A_499 = arith.muli %scan3A_402, %mul3A_498 : i32
        %add3A_500 = arith.constant 1 : i32
        %add3A_501 = arith.addi %mul3A_499, %add3A_500 : i32
        %get3A_502 = arith.constant 2 : i32
        %get3A_503 = arith.index_cast %get3A_502 : i32 to index
        %get3A_504 = arith.index_cast %add3A_501 : i32 to index
        %get3A_505 = arith.constant 0 : index
        %get3A_506 = tpu.vector_load %arg6[%get3A_503, %get3A_504, %get3A_505] {strides = array<i32>} : memref<4x256x64xf32, #tpu.memory_space<vmem>>, vector<1x1x16xf32>,
        %get3A_507 = vector.shape_cast %get3A_506 : vector<1x1x16xf32> to vector<16xf32>
        %mul3A_508 = arith.constant 8.000000e+00 : f32
        %mul3A_509 = vector.broadcast %mul3A_508 : f32 to vector<16xf32>
        %mul3A_510 = arith.mulf %get3A_507, %mul3A_509 : vector<16xf32>
        %mul3A_511 = arith.constant 2 : i32
        %mul3A_512 = arith.muli %scan3A_402, %mul3A_511 : i32
        %add3A_513 = arith.constant 1 : i32
        %add3A_514 = arith.addi %mul3A_512, %add3A_513 : i32
        %swap3A_515 = arith.constant 2 : i32
        %swap3A_516 = arith.index_cast %swap3A_515 : i32 to index
        %swap3A_517 = arith.index_cast %add3A_514 : i32 to index
        %swap3A_518 = arith.constant 0 : index
        %swap3A_519 = tpu.vector_load %arg6[%swap3A_516, %swap3A_517, %swap3A_518] {strides = array<i32>} : memref<4x256x64xf32, #tpu.memory_space<vmem>>, vector<1x1x16xf32>,
        %swap3A_520 = vector.shape_cast %swap3A_519 : vector<1x1x16xf32> to vector<16xf32>
        %swap3A_521 = vector.shape_cast %mul3A_510 : vector<16xf32> to vector<1x1x16xf32>
        tpu.vector_store %arg6[%swap3A_516, %swap3A_517, %swap3A_518], %swap3A_521 {strides = array<i32>} : memref<4x256x64xf32, #tpu.memory_space<vmem>>, vector<1x1x16xf32>,
        %mul3A_522 = arith.constant 2 : i32
        %mul3A_523 = arith.muli %scan3A_402, %mul3A_522 : i32
        %add3A_524 = arith.constant 1 : i32
        %add3A_525 = arith.addi %mul3A_523, %add3A_524 : i32
        %get3A_526 = arith.constant 2 : i32
        %get3A_527 = arith.index_cast %get3A_526 : i32 to index
        %get3A_528 = arith.index_cast %add3A_525 : i32 to index
        %get3A_529 = arith.constant 16 : index
        %get3A_530 = tpu.vector_load %arg6[%get3A_527, %get3A_528, %get3A_529] {strides = array<i32>} : memref<4x256x64xf32, #tpu.memory_space<vmem>>, vector<1x1x16xf32>,
        %get3A_531 = vector.shape_cast %get3A_530 : vector<1x1x16xf32> to vector<16xf32>
        %mul3A_532 = arith.constant 8.000000e+00 : f32
        %mul3A_533 = vector.broadcast %mul3A_532 : f32 to vector<16xf32>
        %mul3A_534 = arith.mulf %get3A_531, %mul3A_533 : vector<16xf32>
        %mul3A_535 = arith.constant 2 : i32
        %mul3A_536 = arith.muli %scan3A_402, %mul3A_535 : i32
        %add3A_537 = arith.constant 1 : i32
        %add3A_538 = arith.addi %mul3A_536, %add3A_537 : i32
        %swap3A_539 = arith.constant 2 : i32
        %swap3A_540 = arith.index_cast %swap3A_539 : i32 to index
        %swap3A_541 = arith.index_cast %add3A_538 : i32 to index
        %swap3A_542 = arith.constant 16 : index
        %swap3A_543 = tpu.vector_load %arg6[%swap3A_540, %swap3A_541, %swap3A_542] {strides = array<i32>} : memref<4x256x64xf32, #tpu.memory_space<vmem>>, vector<1x1x16xf32>,
        %swap3A_544 = vector.shape_cast %swap3A_543 : vector<1x1x16xf32> to vector<16xf32>
        %swap3A_545 = vector.shape_cast %mul3A_534 : vector<16xf32> to vector<1x1x16xf32>
        tpu.vector_store %arg6[%swap3A_540, %swap3A_541, %swap3A_542], %swap3A_545 {strides = array<i32>} : memref<4x256x64xf32, #tpu.memory_space<vmem>>, vector<1x1x16xf32>,
        %mul3A_546 = arith.constant 2 : i32
        %mul3A_547 = arith.muli %scan3A_402, %mul3A_546 : i32
        %add3A_548 = arith.constant 1 : i32
        %add3A_549 = arith.addi %mul3A_547, %add3A_548 : i32
        %get3A_550 = arith.constant 2 : i32
        %get3A_551 = arith.index_cast %get3A_550 : i32 to index
        %get3A_552 = arith.index_cast %add3A_549 : i32 to index
        %get3A_553 = arith.constant 32 : index
        %get3A_554 = tpu.vector_load %arg6[%get3A_551, %get3A_552, %get3A_553] {strides = array<i32>} : memref<4x256x64xf32, #tpu.memory_space<vmem>>, vector<1x1x16xf32>,
        %get3A_555 = vector.shape_cast %get3A_554 : vector<1x1x16xf32> to vector<16xf32>
        %mul3A_556 = arith.constant 8.000000e+00 : f32
        %mul3A_557 = vector.broadcast %mul3A_556 : f32 to vector<16xf32>
        %mul3A_558 = arith.mulf %get3A_555, %mul3A_557 : vector<16xf32>
        %mul3A_559 = arith.constant 2 : i32
        %mul3A_560 = arith.muli %scan3A_402, %mul3A_559 : i32
        %add3A_561 = arith.constant 1 : i32
        %add3A_562 = arith.addi %mul3A_560, %add3A_561 : i32
        %swap3A_563 = arith.constant 2 : i32
        %swap3A_564 = arith.index_cast %swap3A_563 : i32 to index
        %swap3A_565 = arith.index_cast %add3A_562 : i32 to index
        %swap3A_566 = arith.constant 32 : index
        %swap3A_567 = tpu.vector_load %arg6[%swap3A_564, %swap3A_565, %swap3A_566] {strides = array<i32>} : memref<4x256x64xf32, #tpu.memory_space<vmem>>, vector<1x1x16xf32>,
        %swap3A_568 = vector.shape_cast %swap3A_567 : vector<1x1x16xf32> to vector<16xf32>
        %swap3A_569 = vector.shape_cast %mul3A_558 : vector<16xf32> to vector<1x1x16xf32>
        tpu.vector_store %arg6[%swap3A_564, %swap3A_565, %swap3A_566], %swap3A_569 {strides = array<i32>} : memref<4x256x64xf32, #tpu.memory_space<vmem>>, vector<1x1x16xf32>,
        %mul3A_570 = arith.constant 2 : i32
        %mul3A_571 = arith.muli %scan3A_402, %mul3A_570 : i32
        %add3A_572 = arith.constant 1 : i32
        %add3A_573 = arith.addi %mul3A_571, %add3A_572 : i32
        %get3A_574 = arith.constant 2 : i32
        %get3A_575 = arith.index_cast %get3A_574 : i32 to index
        %get3A_576 = arith.index_cast %add3A_573 : i32 to index
        %get3A_577 = arith.constant 48 : index
        %get3A_578 = tpu.vector_load %arg6[%get3A_575, %get3A_576, %get3A_577] {strides = array<i32>} : memref<4x256x64xf32, #tpu.memory_space<vmem>>, vector<1x1x16xf32>,
        %get3A_579 = vector.shape_cast %get3A_578 : vector<1x1x16xf32> to vector<16xf32>
        %mul3A_580 = arith.constant 8.000000e+00 : f32
        %mul3A_581 = vector.broadcast %mul3A_580 : f32 to vector<16xf32>
        %mul3A_582 = arith.mulf %get3A_579, %mul3A_581 : vector<16xf32>
        %mul3A_583 = arith.constant 2 : i32
        %mul3A_584 = arith.muli %scan3A_402, %mul3A_583 : i32
        %add3A_585 = arith.constant 1 : i32
        %add3A_586 = arith.addi %mul3A_584, %add3A_585 : i32
        %swap3A_587 = arith.constant 2 : i32
        %swap3A_588 = arith.index_cast %swap3A_587 : i32 to index
        %swap3A_589 = arith.index_cast %add3A_586 : i32 to index
        %swap3A_590 = arith.constant 48 : index
        %swap3A_591 = tpu.vector_load %arg6[%swap3A_588, %swap3A_589, %swap3A_590] {strides = array<i32>} : memref<4x256x64xf32, #tpu.memory_space<vmem>>, vector<1x1x16xf32>,
        %swap3A_592 = vector.shape_cast %swap3A_591 : vector<1x1x16xf32> to vector<16xf32>
        %swap3A_593 = vector.shape_cast %mul3A_582 : vector<16xf32> to vector<1x1x16xf32>
        tpu.vector_store %arg6[%swap3A_588, %swap3A_589, %swap3A_590], %swap3A_593 {strides = array<i32>} : memref<4x256x64xf32, #tpu.memory_space<vmem>>, vector<1x1x16xf32>,
        %scan3A_594 = arith.constant 0 : i32
        scf.yield %scan3A_594 : i32
      }
      %scan3A_324 = arith.constant 128 : i32
      %mul3A_325 = arith.constant 256 : i32
      %mul3A_326 = arith.muli %add3A_290, %mul3A_325 : i32
      %add3A_327 = arith.addi %mul3A_2, %mul3A_326 : i32
      %dma_start3A_328 = arith.constant 2 : i32
      %dma_start3A_329 = arith.constant 2 : i32
      %dma_start3A_330 = arith.constant 0 : i32
      %dma_start3A_331 = arith.constant 0 : i32
      %dma_start3A_332 = tpu.memref_slice %arg6[%dma_start3A_328, %dma_start3A_330, %dma_start3A_331] : memref<4x256x64xf32, #tpu.memory_space<vmem>> -> memref<1x256x64xf32, #tpu.memory_space<vmem>>
      %dma_start3A_333 = tpu.memref_squeeze %dma_start3A_332 : memref<1x256x64xf32, #tpu.memory_space<vmem>> -> memref<256x64xf32, #tpu.memory_space<vmem>>
      %dma_start3A_334 = arith.constant 0 : i32
      %dma_start3A_335 = tpu.memref_slice %arg4[%add3A_327, %dma_start3A_334] : memref<819200x64xf32, #tpu.memory_space<hbm>> -> memref<256x64xf32, #tpu.memory_space<hbm>>
      %dma_start3A_336 = tpu.memref_slice %arg8[%dma_start3A_329] : memref<4x!tpu.dma_semaphore, #tpu.memory_space<semaphore_mem>> -> memref<1x!tpu.dma_semaphore, #tpu.memory_space<semaphore_mem>>
      %dma_start3A_337 = tpu.memref_squeeze %dma_start3A_336 : memref<1x!tpu.dma_semaphore, #tpu.memory_space<semaphore_mem>> -> memref<!tpu.dma_semaphore, #tpu.memory_space<semaphore_mem>>
      %dma_start3A_338 = arith.constant 0 : i32
      %dma_start3A_339 = tpu.memref_slice %arg4[%add3A_327, %dma_start3A_338] : memref<819200x64xf32, #tpu.memory_space<hbm>> -> memref<256x64xf32, #tpu.memory_space<hbm>>
      %dma_start3A_340 = arith.constant 0 : i32
      %dma_start3A_341 = arith.constant 0 : i32
      %dma_start3A_342 = tpu.memref_slice %arg6[%dma_start3A_328, %dma_start3A_340, %dma_start3A_341] : memref<4x256x64xf32, #tpu.memory_space<vmem>> -> memref<1x256x64xf32, #tpu.memory_space<vmem>>
      %dma_start3A_343 = tpu.memref_squeeze %dma_start3A_342 : memref<1x256x64xf32, #tpu.memory_space<vmem>> -> memref<256x64xf32, #tpu.memory_space<vmem>>
      tpu.enqueue_dma source(%dma_start3A_343 : memref<256x64xf32, #tpu.memory_space<vmem>>) target(%dma_start3A_339 : memref<256x64xf32, #tpu.memory_space<hbm>>) target_semaphore(%dma_start3A_337 : memref<!tpu.dma_semaphore, #tpu.memory_space<semaphore_mem>>)
      %mul3A_344 = arith.constant 4 : i32
      %mul3A_345 = arith.muli %scan3A_175, %mul3A_344 : i32
      %add3A_346 = arith.constant 3 : i32
      %add3A_347 = arith.addi %mul3A_345, %add3A_346 : i32
      %add3A_348 = arith.constant 4 : i32
      %add3A_349 = arith.addi %add3A_347, %add3A_348 : i32
      %sub3A_350 = arith.constant 1 : i32
      %sub3A_351 = arith.subi %add3A_349, %sub3A_350 : i32
      %lt3A_352 = arith.constant 100 : i32
      %lt3A_353 = arith.cmpi slt, %sub3A_351, %lt3A_352 : i32
      %convert_element_type3A_354 = arith.extui %lt3A_353 : i1 to i32
      %cond3A_355 = arith.constant 0 : i32
      %cond3A_356 = arith.cmpi ne, %convert_element_type3A_354, %cond3A_355 : i32
      scf.if %cond3A_356 {
        %ge3A = arith.constant 1 : i32
        %ge3A_402 = arith.cmpi sge, %add3A_347, %ge3A : i32
        %convert_element_type3A_403 = arith.extui %ge3A_402 : i1 to i32
        %cond3A_404 = arith.constant 0 : i32
        %cond3A_405 = arith.cmpi ne, %convert_element_type3A_403, %cond3A_404 : i32
        scf.if %cond3A_405 {
          %dma_wait3A_444 = arith.constant 2 : i32
          %dma_wait3A_445 = arith.constant 2 : i32
          %dma_wait3A_446 = arith.constant 0 : i32
          %dma_wait3A_447 = arith.constant 0 : i32
          %dma_wait3A_448 = tpu.memref_slice %arg6[%dma_wait3A_444, %dma_wait3A_446, %dma_wait3A_447] : memref<4x256x64xf32, #tpu.memory_space<vmem>> -> memref<1x256x64xf32, #tpu.memory_space<vmem>>
          %dma_wait3A_449 = tpu.memref_squeeze %dma_wait3A_448 : memref<1x256x64xf32, #tpu.memory_space<vmem>> -> memref<256x64xf32, #tpu.memory_space<vmem>>
          %dma_wait3A_450 = arith.constant 0 : i32
          %dma_wait3A_451 = arith.constant 0 : i32
          %dma_wait3A_452 = tpu.memref_slice %arg4[%dma_wait3A_450, %dma_wait3A_451] : memref<819200x64xf32, #tpu.memory_space<hbm>> -> memref<256x64xf32, #tpu.memory_space<hbm>>
          %dma_wait3A_453 = tpu.memref_slice %arg8[%dma_wait3A_445] : memref<4x!tpu.dma_semaphore, #tpu.memory_space<semaphore_mem>> -> memref<1x!tpu.dma_semaphore, #tpu.memory_space<semaphore_mem>>
          %dma_wait3A_454 = tpu.memref_squeeze %dma_wait3A_453 : memref<1x!tpu.dma_semaphore, #tpu.memory_space<semaphore_mem>> -> memref<!tpu.dma_semaphore, #tpu.memory_space<semaphore_mem>>
          %dma_wait3A_455 = arith.constant 0 : i32
          %dma_wait3A_456 = arith.constant 0 : i32
          %dma_wait3A_457 = tpu.memref_slice %arg6[%dma_wait3A_444, %dma_wait3A_455, %dma_wait3A_456] : memref<4x256x64xf32, #tpu.memory_space<vmem>> -> memref<1x256x64xf32, #tpu.memory_space<vmem>>
          %dma_wait3A_458 = tpu.memref_squeeze %dma_wait3A_457 : memref<1x256x64xf32, #tpu.memory_space<vmem>> -> memref<256x64xf32, #tpu.memory_space<vmem>>
          %dma_wait3A_459 = arith.constant 0 : i32
          %dma_wait3A_460 = arith.constant 0 : i32
          %dma_wait3A_461 = tpu.memref_slice %arg4[%dma_wait3A_459, %dma_wait3A_460] : memref<819200x64xf32, #tpu.memory_space<hbm>> -> memref<256x64xf32, #tpu.memory_space<hbm>>
          tpu.wait_dma2 semaphore(%dma_wait3A_454 : memref<!tpu.dma_semaphore, #tpu.memory_space<semaphore_mem>>) src(%dma_wait3A_461 : memref<256x64xf32, #tpu.memory_space<hbm>>) dst(%dma_wait3A_458 : memref<256x64xf32, #tpu.memory_space<vmem>>)
        } else {
        }
        %mul3A_406 = arith.constant 256 : i32
        %mul3A_407 = arith.muli %sub3A_351, %mul3A_406 : i32
        %add3A_408 = arith.constant 0 : i32
        %add3A_409 = arith.addi %mul3A_407, %add3A_408 : i32
        %dma_start3A_410 = arith.constant 2 : i32
        %dma_start3A_411 = arith.constant 2 : i32
        %dma_start3A_412 = arith.constant 0 : i32
        %dma_start3A_413 = arith.constant 0 : i32
        %dma_start3A_414 = tpu.memref_slice %arg6[%dma_start3A_410, %dma_start3A_412, %dma_start3A_413] : memref<4x256x64xf32, #tpu.memory_space<vmem>> -> memref<1x256x64xf32, #tpu.memory_space<vmem>>
        %dma_start3A_415 = tpu.memref_squeeze %dma_start3A_414 : memref<1x256x64xf32, #tpu.memory_space<vmem>> -> memref<256x64xf32, #tpu.memory_space<vmem>>
        %dma_start3A_416 = arith.constant 0 : i32
        %dma_start3A_417 = arith.constant 0 : i32
        %dma_start3A_418 = tpu.memref_slice %dma_start3A_415[%dma_start3A_416, %dma_start3A_417] : memref<256x64xf32, #tpu.memory_space<vmem>> -> memref<128x64xf32, #tpu.memory_space<vmem>>
        %dma_start3A_419 = tpu.memref_slice %arg5[%add3A_409] : memref<25600xi32, #tpu.memory_space<vmem>> -> memref<128xi32, #tpu.memory_space<vmem>>
        %dma_start3A_420 = arith.constant 0 : i32
        %dma_start3A_421 = arith.constant 0 : i32
        %dma_start3A_422 = tpu.memref_slice %arg3[%dma_start3A_420, %dma_start3A_421] : memref<1000000x64xf32, #tpu.memory_space<hbm>> -> memref<1000000x64xf32, #tpu.memory_space<hbm>>
        %dma_start3A_423 = tpu.memref_slice %arg7[%dma_start3A_411] : memref<4x!tpu.dma_semaphore, #tpu.memory_space<semaphore_mem>> -> memref<1x!tpu.dma_semaphore, #tpu.memory_space<semaphore_mem>>
        %dma_start3A_424 = tpu.memref_squeeze %dma_start3A_423 : memref<1x!tpu.dma_semaphore, #tpu.memory_space<semaphore_mem>> -> memref<!tpu.dma_semaphore, #tpu.memory_space<semaphore_mem>>
        tpu.enqueue_indirect_dma source(%dma_start3A_422 : memref<1000000x64xf32, #tpu.memory_space<hbm>>) target(%dma_start3A_418 : memref<128x64xf32, #tpu.memory_space<vmem>>) offsets(%dma_start3A_419 : memref<128xi32, #tpu.memory_space<vmem>>) semaphore(%dma_start3A_424 : memref<!tpu.dma_semaphore, #tpu.memory_space<semaphore_mem>>)
        %mul3A_425 = arith.constant 256 : i32
        %mul3A_426 = arith.muli %sub3A_351, %mul3A_425 : i32
        %add3A_427 = arith.constant 128 : i32
        %add3A_428 = arith.addi %mul3A_426, %add3A_427 : i32
        %dma_start3A_429 = arith.constant 2 : i32
        %dma_start3A_430 = arith.constant 2 : i32
        %dma_start3A_431 = arith.constant 0 : i32
        %dma_start3A_432 = arith.constant 0 : i32
        %dma_start3A_433 = tpu.memref_slice %arg6[%dma_start3A_429, %dma_start3A_431, %dma_start3A_432] : memref<4x256x64xf32, #tpu.memory_space<vmem>> -> memref<1x256x64xf32, #tpu.memory_space<vmem>>
        %dma_start3A_434 = tpu.memref_squeeze %dma_start3A_433 : memref<1x256x64xf32, #tpu.memory_space<vmem>> -> memref<256x64xf32, #tpu.memory_space<vmem>>
        %dma_start3A_435 = arith.constant 128 : i32
        %dma_start3A_436 = arith.constant 0 : i32
        %dma_start3A_437 = tpu.memref_slice %dma_start3A_434[%dma_start3A_435, %dma_start3A_436] : memref<256x64xf32, #tpu.memory_space<vmem>> -> memref<128x64xf32, #tpu.memory_space<vmem>>
        %dma_start3A_438 = tpu.memref_slice %arg5[%add3A_428] : memref<25600xi32, #tpu.memory_space<vmem>> -> memref<128xi32, #tpu.memory_space<vmem>>
        %dma_start3A_439 = arith.constant 0 : i32
        %dma_start3A_440 = arith.constant 0 : i32
        %dma_start3A_441 = tpu.memref_slice %arg3[%dma_start3A_439, %dma_start3A_440] : memref<1000000x64xf32, #tpu.memory_space<hbm>> -> memref<1000000x64xf32, #tpu.memory_space<hbm>>
        %dma_start3A_442 = tpu.memref_slice %arg7[%dma_start3A_430] : memref<4x!tpu.dma_semaphore, #tpu.memory_space<semaphore_mem>> -> memref<1x!tpu.dma_semaphore, #tpu.memory_space<semaphore_mem>>
        %dma_start3A_443 = tpu.memref_squeeze %dma_start3A_442 : memref<1x!tpu.dma_semaphore, #tpu.memory_space<semaphore_mem>> -> memref<!tpu.dma_semaphore, #tpu.memory_space<semaphore_mem>>
        tpu.enqueue_indirect_dma source(%dma_start3A_441 : memref<1000000x64xf32, #tpu.memory_space<hbm>>) target(%dma_start3A_437 : memref<128x64xf32, #tpu.memory_space<vmem>>) offsets(%dma_start3A_438 : memref<128xi32, #tpu.memory_space<vmem>>) semaphore(%dma_start3A_443 : memref<!tpu.dma_semaphore, #tpu.memory_space<semaphore_mem>>)
      } else {
      }
      %dma_wait3A_357 = arith.constant 3 : i32
      %dma_wait3A_358 = arith.constant 3 : i32
      %dma_wait3A_359 = arith.constant 0 : i32
      %dma_wait3A_360 = arith.constant 0 : i32
      %dma_wait3A_361 = tpu.memref_slice %arg6[%dma_wait3A_357, %dma_wait3A_359, %dma_wait3A_360] : memref<4x256x64xf32, #tpu.memory_space<vmem>> -> memref<1x256x64xf32, #tpu.memory_space<vmem>>
      %dma_wait3A_362 = tpu.memref_squeeze %dma_wait3A_361 : memref<1x256x64xf32, #tpu.memory_space<vmem>> -> memref<256x64xf32, #tpu.memory_space<vmem>>
      %dma_wait3A_363 = arith.constant 0 : i32
      %dma_wait3A_364 = arith.constant 0 : i32
      %dma_wait3A_365 = tpu.memref_slice %arg4[%dma_wait3A_363, %dma_wait3A_364] : memref<819200x64xf32, #tpu.memory_space<hbm>> -> memref<256x64xf32, #tpu.memory_space<hbm>>
      %dma_wait3A_366 = tpu.memref_slice %arg7[%dma_wait3A_358] : memref<4x!tpu.dma_semaphore, #tpu.memory_space<semaphore_mem>> -> memref<1x!tpu.dma_semaphore, #tpu.memory_space<semaphore_mem>>
      %dma_wait3A_367 = tpu.memref_squeeze %dma_wait3A_366 : memref<1x!tpu.dma_semaphore, #tpu.memory_space<semaphore_mem>> -> memref<!tpu.dma_semaphore, #tpu.memory_space<semaphore_mem>>
      %dma_wait3A_368 = arith.constant 0 : i32
      %dma_wait3A_369 = arith.constant 0 : i32
      %dma_wait3A_370 = tpu.memref_slice %arg6[%dma_wait3A_357, %dma_wait3A_368, %dma_wait3A_369] : memref<4x256x64xf32, #tpu.memory_space<vmem>> -> memref<1x256x64xf32, #tpu.memory_space<vmem>>
      %dma_wait3A_371 = tpu.memref_squeeze %dma_wait3A_370 : memref<1x256x64xf32, #tpu.memory_space<vmem>> -> memref<256x64xf32, #tpu.memory_space<vmem>>
      %dma_wait3A_372 = arith.constant 0 : i32
      %dma_wait3A_373 = arith.constant 0 : i32
      %dma_wait3A_374 = tpu.memref_slice %arg4[%dma_wait3A_372, %dma_wait3A_373] : memref<819200x64xf32, #tpu.memory_space<hbm>> -> memref<256x64xf32, #tpu.memory_space<hbm>>
      tpu.wait_dma2 semaphore(%dma_wait3A_367 : memref<!tpu.dma_semaphore, #tpu.memory_space<semaphore_mem>>) src(%dma_wait3A_374 : memref<256x64xf32, #tpu.memory_space<hbm>>) dst(%dma_wait3A_371 : memref<256x64xf32, #tpu.memory_space<vmem>>)
      %scan3A_375 = arith.constant 0 : i32
      %scan3A_376 = arith.constant 0 : i32
      %scan3A_377 = arith.constant 128 : i32
      %scan3A_378 = arith.addi %scan3A_376, %scan3A_377 : i32
      %scan3A_379 = arith.constant 1 : i32
      %scan3A_380 = scf.for %scan3A_402 = %scan3A_376 to %scan3A_378 step %scan3A_379 iter_args(%scan3A_403 = %scan3A_375) -> (i32)  : i32 {
        %mul3A_404 = arith.constant 2 : i32
        %mul3A_405 = arith.muli %scan3A_402, %mul3A_404 : i32
        %add3A_406 = arith.constant 0 : i32
        %add3A_407 = arith.addi %mul3A_405, %add3A_406 : i32
        %get3A = arith.constant 3 : i32
        %get3A_408 = arith.index_cast %get3A : i32 to index
        %get3A_409 = arith.index_cast %add3A_407 : i32 to index
        %get3A_410 = arith.constant 0 : index
        %get3A_411 = tpu.vector_load %arg6[%get3A_408, %get3A_409, %get3A_410] {strides = array<i32>} : memref<4x256x64xf32, #tpu.memory_space<vmem>>, vector<1x1x16xf32>,
        %get3A_412 = vector.shape_cast %get3A_411 : vector<1x1x16xf32> to vector<16xf32>
        %mul3A_413 = arith.constant 8.000000e+00 : f32
        %mul3A_414 = vector.broadcast %mul3A_413 : f32 to vector<16xf32>
        %mul3A_415 = arith.mulf %get3A_412, %mul3A_414 : vector<16xf32>
        %mul3A_416 = arith.constant 2 : i32
        %mul3A_417 = arith.muli %scan3A_402, %mul3A_416 : i32
        %add3A_418 = arith.constant 0 : i32
        %add3A_419 = arith.addi %mul3A_417, %add3A_418 : i32
        %swap3A = arith.constant 3 : i32
        %swap3A_420 = arith.index_cast %swap3A : i32 to index
        %swap3A_421 = arith.index_cast %add3A_419 : i32 to index
        %swap3A_422 = arith.constant 0 : index
        %swap3A_423 = tpu.vector_load %arg6[%swap3A_420, %swap3A_421, %swap3A_422] {strides = array<i32>} : memref<4x256x64xf32, #tpu.memory_space<vmem>>, vector<1x1x16xf32>,
        %swap3A_424 = vector.shape_cast %swap3A_423 : vector<1x1x16xf32> to vector<16xf32>
        %swap3A_425 = vector.shape_cast %mul3A_415 : vector<16xf32> to vector<1x1x16xf32>
        tpu.vector_store %arg6[%swap3A_420, %swap3A_421, %swap3A_422], %swap3A_425 {strides = array<i32>} : memref<4x256x64xf32, #tpu.memory_space<vmem>>, vector<1x1x16xf32>,
        %mul3A_426 = arith.constant 2 : i32
        %mul3A_427 = arith.muli %scan3A_402, %mul3A_426 : i32
        %add3A_428 = arith.constant 0 : i32
        %add3A_429 = arith.addi %mul3A_427, %add3A_428 : i32
        %get3A_430 = arith.constant 3 : i32
        %get3A_431 = arith.index_cast %get3A_430 : i32 to index
        %get3A_432 = arith.index_cast %add3A_429 : i32 to index
        %get3A_433 = arith.constant 16 : index
        %get3A_434 = tpu.vector_load %arg6[%get3A_431, %get3A_432, %get3A_433] {strides = array<i32>} : memref<4x256x64xf32, #tpu.memory_space<vmem>>, vector<1x1x16xf32>,
        %get3A_435 = vector.shape_cast %get3A_434 : vector<1x1x16xf32> to vector<16xf32>
        %mul3A_436 = arith.constant 8.000000e+00 : f32
        %mul3A_437 = vector.broadcast %mul3A_436 : f32 to vector<16xf32>
        %mul3A_438 = arith.mulf %get3A_435, %mul3A_437 : vector<16xf32>
        %mul3A_439 = arith.constant 2 : i32
        %mul3A_440 = arith.muli %scan3A_402, %mul3A_439 : i32
        %add3A_441 = arith.constant 0 : i32
        %add3A_442 = arith.addi %mul3A_440, %add3A_441 : i32
        %swap3A_443 = arith.constant 3 : i32
        %swap3A_444 = arith.index_cast %swap3A_443 : i32 to index
        %swap3A_445 = arith.index_cast %add3A_442 : i32 to index
        %swap3A_446 = arith.constant 16 : index
        %swap3A_447 = tpu.vector_load %arg6[%swap3A_444, %swap3A_445, %swap3A_446] {strides = array<i32>} : memref<4x256x64xf32, #tpu.memory_space<vmem>>, vector<1x1x16xf32>,
        %swap3A_448 = vector.shape_cast %swap3A_447 : vector<1x1x16xf32> to vector<16xf32>
        %swap3A_449 = vector.shape_cast %mul3A_438 : vector<16xf32> to vector<1x1x16xf32>
        tpu.vector_store %arg6[%swap3A_444, %swap3A_445, %swap3A_446], %swap3A_449 {strides = array<i32>} : memref<4x256x64xf32, #tpu.memory_space<vmem>>, vector<1x1x16xf32>,
        %mul3A_450 = arith.constant 2 : i32
        %mul3A_451 = arith.muli %scan3A_402, %mul3A_450 : i32
        %add3A_452 = arith.constant 0 : i32
        %add3A_453 = arith.addi %mul3A_451, %add3A_452 : i32
        %get3A_454 = arith.constant 3 : i32
        %get3A_455 = arith.index_cast %get3A_454 : i32 to index
        %get3A_456 = arith.index_cast %add3A_453 : i32 to index
        %get3A_457 = arith.constant 32 : index
        %get3A_458 = tpu.vector_load %arg6[%get3A_455, %get3A_456, %get3A_457] {strides = array<i32>} : memref<4x256x64xf32, #tpu.memory_space<vmem>>, vector<1x1x16xf32>,
        %get3A_459 = vector.shape_cast %get3A_458 : vector<1x1x16xf32> to vector<16xf32>
        %mul3A_460 = arith.constant 8.000000e+00 : f32
        %mul3A_461 = vector.broadcast %mul3A_460 : f32 to vector<16xf32>
        %mul3A_462 = arith.mulf %get3A_459, %mul3A_461 : vector<16xf32>
        %mul3A_463 = arith.constant 2 : i32
        %mul3A_464 = arith.muli %scan3A_402, %mul3A_463 : i32
        %add3A_465 = arith.constant 0 : i32
        %add3A_466 = arith.addi %mul3A_464, %add3A_465 : i32
        %swap3A_467 = arith.constant 3 : i32
        %swap3A_468 = arith.index_cast %swap3A_467 : i32 to index
        %swap3A_469 = arith.index_cast %add3A_466 : i32 to index
        %swap3A_470 = arith.constant 32 : index
        %swap3A_471 = tpu.vector_load %arg6[%swap3A_468, %swap3A_469, %swap3A_470] {strides = array<i32>} : memref<4x256x64xf32, #tpu.memory_space<vmem>>, vector<1x1x16xf32>,
        %swap3A_472 = vector.shape_cast %swap3A_471 : vector<1x1x16xf32> to vector<16xf32>
        %swap3A_473 = vector.shape_cast %mul3A_462 : vector<16xf32> to vector<1x1x16xf32>
        tpu.vector_store %arg6[%swap3A_468, %swap3A_469, %swap3A_470], %swap3A_473 {strides = array<i32>} : memref<4x256x64xf32, #tpu.memory_space<vmem>>, vector<1x1x16xf32>,
        %mul3A_474 = arith.constant 2 : i32
        %mul3A_475 = arith.muli %scan3A_402, %mul3A_474 : i32
        %add3A_476 = arith.constant 0 : i32
        %add3A_477 = arith.addi %mul3A_475, %add3A_476 : i32
        %get3A_478 = arith.constant 3 : i32
        %get3A_479 = arith.index_cast %get3A_478 : i32 to index
        %get3A_480 = arith.index_cast %add3A_477 : i32 to index
        %get3A_481 = arith.constant 48 : index
        %get3A_482 = tpu.vector_load %arg6[%get3A_479, %get3A_480, %get3A_481] {strides = array<i32>} : memref<4x256x64xf32, #tpu.memory_space<vmem>>, vector<1x1x16xf32>,
        %get3A_483 = vector.shape_cast %get3A_482 : vector<1x1x16xf32> to vector<16xf32>
        %mul3A_484 = arith.constant 8.000000e+00 : f32
        %mul3A_485 = vector.broadcast %mul3A_484 : f32 to vector<16xf32>
        %mul3A_486 = arith.mulf %get3A_483, %mul3A_485 : vector<16xf32>
        %mul3A_487 = arith.constant 2 : i32
        %mul3A_488 = arith.muli %scan3A_402, %mul3A_487 : i32
        %add3A_489 = arith.constant 0 : i32
        %add3A_490 = arith.addi %mul3A_488, %add3A_489 : i32
        %swap3A_491 = arith.constant 3 : i32
        %swap3A_492 = arith.index_cast %swap3A_491 : i32 to index
        %swap3A_493 = arith.index_cast %add3A_490 : i32 to index
        %swap3A_494 = arith.constant 48 : index
        %swap3A_495 = tpu.vector_load %arg6[%swap3A_492, %swap3A_493, %swap3A_494] {strides = array<i32>} : memref<4x256x64xf32, #tpu.memory_space<vmem>>, vector<1x1x16xf32>,
        %swap3A_496 = vector.shape_cast %swap3A_495 : vector<1x1x16xf32> to vector<16xf32>
        %swap3A_497 = vector.shape_cast %mul3A_486 : vector<16xf32> to vector<1x1x16xf32>
        tpu.vector_store %arg6[%swap3A_492, %swap3A_493, %swap3A_494], %swap3A_497 {strides = array<i32>} : memref<4x256x64xf32, #tpu.memory_space<vmem>>, vector<1x1x16xf32>,
        %mul3A_498 = arith.constant 2 : i32
        %mul3A_499 = arith.muli %scan3A_402, %mul3A_498 : i32
        %add3A_500 = arith.constant 1 : i32
        %add3A_501 = arith.addi %mul3A_499, %add3A_500 : i32
        %get3A_502 = arith.constant 3 : i32
        %get3A_503 = arith.index_cast %get3A_502 : i32 to index
        %get3A_504 = arith.index_cast %add3A_501 : i32 to index
        %get3A_505 = arith.constant 0 : index
        %get3A_506 = tpu.vector_load %arg6[%get3A_503, %get3A_504, %get3A_505] {strides = array<i32>} : memref<4x256x64xf32, #tpu.memory_space<vmem>>, vector<1x1x16xf32>,
        %get3A_507 = vector.shape_cast %get3A_506 : vector<1x1x16xf32> to vector<16xf32>
        %mul3A_508 = arith.constant 8.000000e+00 : f32
        %mul3A_509 = vector.broadcast %mul3A_508 : f32 to vector<16xf32>
        %mul3A_510 = arith.mulf %get3A_507, %mul3A_509 : vector<16xf32>
        %mul3A_511 = arith.constant 2 : i32
        %mul3A_512 = arith.muli %scan3A_402, %mul3A_511 : i32
        %add3A_513 = arith.constant 1 : i32
        %add3A_514 = arith.addi %mul3A_512, %add3A_513 : i32
        %swap3A_515 = arith.constant 3 : i32
        %swap3A_516 = arith.index_cast %swap3A_515 : i32 to index
        %swap3A_517 = arith.index_cast %add3A_514 : i32 to index
        %swap3A_518 = arith.constant 0 : index
        %swap3A_519 = tpu.vector_load %arg6[%swap3A_516, %swap3A_517, %swap3A_518] {strides = array<i32>} : memref<4x256x64xf32, #tpu.memory_space<vmem>>, vector<1x1x16xf32>,
        %swap3A_520 = vector.shape_cast %swap3A_519 : vector<1x1x16xf32> to vector<16xf32>
        %swap3A_521 = vector.shape_cast %mul3A_510 : vector<16xf32> to vector<1x1x16xf32>
        tpu.vector_store %arg6[%swap3A_516, %swap3A_517, %swap3A_518], %swap3A_521 {strides = array<i32>} : memref<4x256x64xf32, #tpu.memory_space<vmem>>, vector<1x1x16xf32>,
        %mul3A_522 = arith.constant 2 : i32
        %mul3A_523 = arith.muli %scan3A_402, %mul3A_522 : i32
        %add3A_524 = arith.constant 1 : i32
        %add3A_525 = arith.addi %mul3A_523, %add3A_524 : i32
        %get3A_526 = arith.constant 3 : i32
        %get3A_527 = arith.index_cast %get3A_526 : i32 to index
        %get3A_528 = arith.index_cast %add3A_525 : i32 to index
        %get3A_529 = arith.constant 16 : index
        %get3A_530 = tpu.vector_load %arg6[%get3A_527, %get3A_528, %get3A_529] {strides = array<i32>} : memref<4x256x64xf32, #tpu.memory_space<vmem>>, vector<1x1x16xf32>,
        %get3A_531 = vector.shape_cast %get3A_530 : vector<1x1x16xf32> to vector<16xf32>
        %mul3A_532 = arith.constant 8.000000e+00 : f32
        %mul3A_533 = vector.broadcast %mul3A_532 : f32 to vector<16xf32>
        %mul3A_534 = arith.mulf %get3A_531, %mul3A_533 : vector<16xf32>
        %mul3A_535 = arith.constant 2 : i32
        %mul3A_536 = arith.muli %scan3A_402, %mul3A_535 : i32
        %add3A_537 = arith.constant 1 : i32
        %add3A_538 = arith.addi %mul3A_536, %add3A_537 : i32
        %swap3A_539 = arith.constant 3 : i32
        %swap3A_540 = arith.index_cast %swap3A_539 : i32 to index
        %swap3A_541 = arith.index_cast %add3A_538 : i32 to index
        %swap3A_542 = arith.constant 16 : index
        %swap3A_543 = tpu.vector_load %arg6[%swap3A_540, %swap3A_541, %swap3A_542] {strides = array<i32>} : memref<4x256x64xf32, #tpu.memory_space<vmem>>, vector<1x1x16xf32>,
        %swap3A_544 = vector.shape_cast %swap3A_543 : vector<1x1x16xf32> to vector<16xf32>
        %swap3A_545 = vector.shape_cast %mul3A_534 : vector<16xf32> to vector<1x1x16xf32>
        tpu.vector_store %arg6[%swap3A_540, %swap3A_541, %swap3A_542], %swap3A_545 {strides = array<i32>} : memref<4x256x64xf32, #tpu.memory_space<vmem>>, vector<1x1x16xf32>,
        %mul3A_546 = arith.constant 2 : i32
        %mul3A_547 = arith.muli %scan3A_402, %mul3A_546 : i32
        %add3A_548 = arith.constant 1 : i32
        %add3A_549 = arith.addi %mul3A_547, %add3A_548 : i32
        %get3A_550 = arith.constant 3 : i32
        %get3A_551 = arith.index_cast %get3A_550 : i32 to index
        %get3A_552 = arith.index_cast %add3A_549 : i32 to index
        %get3A_553 = arith.constant 32 : index
        %get3A_554 = tpu.vector_load %arg6[%get3A_551, %get3A_552, %get3A_553] {strides = array<i32>} : memref<4x256x64xf32, #tpu.memory_space<vmem>>, vector<1x1x16xf32>,
        %get3A_555 = vector.shape_cast %get3A_554 : vector<1x1x16xf32> to vector<16xf32>
        %mul3A_556 = arith.constant 8.000000e+00 : f32
        %mul3A_557 = vector.broadcast %mul3A_556 : f32 to vector<16xf32>
        %mul3A_558 = arith.mulf %get3A_555, %mul3A_557 : vector<16xf32>
        %mul3A_559 = arith.constant 2 : i32
        %mul3A_560 = arith.muli %scan3A_402, %mul3A_559 : i32
        %add3A_561 = arith.constant 1 : i32
        %add3A_562 = arith.addi %mul3A_560, %add3A_561 : i32
        %swap3A_563 = arith.constant 3 : i32
        %swap3A_564 = arith.index_cast %swap3A_563 : i32 to index
        %swap3A_565 = arith.index_cast %add3A_562 : i32 to index
        %swap3A_566 = arith.constant 32 : index
        %swap3A_567 = tpu.vector_load %arg6[%swap3A_564, %swap3A_565, %swap3A_566] {strides = array<i32>} : memref<4x256x64xf32, #tpu.memory_space<vmem>>, vector<1x1x16xf32>,
        %swap3A_568 = vector.shape_cast %swap3A_567 : vector<1x1x16xf32> to vector<16xf32>
        %swap3A_569 = vector.shape_cast %mul3A_558 : vector<16xf32> to vector<1x1x16xf32>
        tpu.vector_store %arg6[%swap3A_564, %swap3A_565, %swap3A_566], %swap3A_569 {strides = array<i32>} : memref<4x256x64xf32, #tpu.memory_space<vmem>>, vector<1x1x16xf32>,
        %mul3A_570 = arith.constant 2 : i32
        %mul3A_571 = arith.muli %scan3A_402, %mul3A_570 : i32
        %add3A_572 = arith.constant 1 : i32
        %add3A_573 = arith.addi %mul3A_571, %add3A_572 : i32
        %get3A_574 = arith.constant 3 : i32
        %get3A_575 = arith.index_cast %get3A_574 : i32 to index
        %get3A_576 = arith.index_cast %add3A_573 : i32 to index
        %get3A_577 = arith.constant 48 : index
        %get3A_578 = tpu.vector_load %arg6[%get3A_575, %get3A_576, %get3A_577] {strides = array<i32>} : memref<4x256x64xf32, #tpu.memory_space<vmem>>, vector<1x1x16xf32>,
        %get3A_579 = vector.shape_cast %get3A_578 : vector<1x1x16xf32> to vector<16xf32>
        %mul3A_580 = arith.constant 8.000000e+00 : f32
        %mul3A_581 = vector.broadcast %mul3A_580 : f32 to vector<16xf32>
        %mul3A_582 = arith.mulf %get3A_579, %mul3A_581 : vector<16xf32>
        %mul3A_583 = arith.constant 2 : i32
        %mul3A_584 = arith.muli %scan3A_402, %mul3A_583 : i32
        %add3A_585 = arith.constant 1 : i32
        %add3A_586 = arith.addi %mul3A_584, %add3A_585 : i32
        %swap3A_587 = arith.constant 3 : i32
        %swap3A_588 = arith.index_cast %swap3A_587 : i32 to index
        %swap3A_589 = arith.index_cast %add3A_586 : i32 to index
        %swap3A_590 = arith.constant 48 : index
        %swap3A_591 = tpu.vector_load %arg6[%swap3A_588, %swap3A_589, %swap3A_590] {strides = array<i32>} : memref<4x256x64xf32, #tpu.memory_space<vmem>>, vector<1x1x16xf32>,
        %swap3A_592 = vector.shape_cast %swap3A_591 : vector<1x1x16xf32> to vector<16xf32>
        %swap3A_593 = vector.shape_cast %mul3A_582 : vector<16xf32> to vector<1x1x16xf32>
        tpu.vector_store %arg6[%swap3A_588, %swap3A_589, %swap3A_590], %swap3A_593 {strides = array<i32>} : memref<4x256x64xf32, #tpu.memory_space<vmem>>, vector<1x1x16xf32>,
        %scan3A_594 = arith.constant 0 : i32
        scf.yield %scan3A_594 : i32
      }
      %scan3A_381 = arith.constant 128 : i32
      %mul3A_382 = arith.constant 256 : i32
      %mul3A_383 = arith.muli %add3A_347, %mul3A_382 : i32
      %add3A_384 = arith.addi %mul3A_2, %mul3A_383 : i32
      %dma_start3A_385 = arith.constant 3 : i32
      %dma_start3A_386 = arith.constant 3 : i32
      %dma_start3A_387 = arith.constant 0 : i32
      %dma_start3A_388 = arith.constant 0 : i32
      %dma_start3A_389 = tpu.memref_slice %arg6[%dma_start3A_385, %dma_start3A_387, %dma_start3A_388] : memref<4x256x64xf32, #tpu.memory_space<vmem>> -> memref<1x256x64xf32, #tpu.memory_space<vmem>>
      %dma_start3A_390 = tpu.memref_squeeze %dma_start3A_389 : memref<1x256x64xf32, #tpu.memory_space<vmem>> -> memref<256x64xf32, #tpu.memory_space<vmem>>
      %dma_start3A_391 = arith.constant 0 : i32
      %dma_start3A_392 = tpu.memref_slice %arg4[%add3A_384, %dma_start3A_391] : memref<819200x64xf32, #tpu.memory_space<hbm>> -> memref<256x64xf32, #tpu.memory_space<hbm>>
      %dma_start3A_393 = tpu.memref_slice %arg8[%dma_start3A_386] : memref<4x!tpu.dma_semaphore, #tpu.memory_space<semaphore_mem>> -> memref<1x!tpu.dma_semaphore, #tpu.memory_space<semaphore_mem>>
      %dma_start3A_394 = tpu.memref_squeeze %dma_start3A_393 : memref<1x!tpu.dma_semaphore, #tpu.memory_space<semaphore_mem>> -> memref<!tpu.dma_semaphore, #tpu.memory_space<semaphore_mem>>
      %dma_start3A_395 = arith.constant 0 : i32
      %dma_start3A_396 = tpu.memref_slice %arg4[%add3A_384, %dma_start3A_395] : memref<819200x64xf32, #tpu.memory_space<hbm>> -> memref<256x64xf32, #tpu.memory_space<hbm>>
      %dma_start3A_397 = arith.constant 0 : i32
      %dma_start3A_398 = arith.constant 0 : i32
      %dma_start3A_399 = tpu.memref_slice %arg6[%dma_start3A_385, %dma_start3A_397, %dma_start3A_398] : memref<4x256x64xf32, #tpu.memory_space<vmem>> -> memref<1x256x64xf32, #tpu.memory_space<vmem>>
      %dma_start3A_400 = tpu.memref_squeeze %dma_start3A_399 : memref<1x256x64xf32, #tpu.memory_space<vmem>> -> memref<256x64xf32, #tpu.memory_space<vmem>>
      tpu.enqueue_dma source(%dma_start3A_400 : memref<256x64xf32, #tpu.memory_space<vmem>>) target(%dma_start3A_396 : memref<256x64xf32, #tpu.memory_space<hbm>>) target_semaphore(%dma_start3A_394 : memref<!tpu.dma_semaphore, #tpu.memory_space<semaphore_mem>>)
      %scan3A_401 = arith.constant 0 : i32
      scf.yield %scan3A_401 : i32
    }
    %scan3A_103 = arith.constant 25 : i32
    %dma_wait3A = arith.constant 0 : i32
    %dma_wait3A_104 = arith.constant 0 : i32
    %dma_wait3A_105 = arith.constant 0 : i32
    %dma_wait3A_106 = arith.constant 0 : i32
    %dma_wait3A_107 = tpu.memref_slice %arg6[%dma_wait3A, %dma_wait3A_105, %dma_wait3A_106] : memref<4x256x64xf32, #tpu.memory_space<vmem>> -> memref<1x256x64xf32, #tpu.memory_space<vmem>>
    %dma_wait3A_108 = tpu.memref_squeeze %dma_wait3A_107 : memref<1x256x64xf32, #tpu.memory_space<vmem>> -> memref<256x64xf32, #tpu.memory_space<vmem>>
    %dma_wait3A_109 = arith.constant 0 : i32
    %dma_wait3A_110 = arith.constant 0 : i32
    %dma_wait3A_111 = tpu.memref_slice %arg4[%dma_wait3A_109, %dma_wait3A_110] : memref<819200x64xf32, #tpu.memory_space<hbm>> -> memref<256x64xf32, #tpu.memory_space<hbm>>
    %dma_wait3A_112 = tpu.memref_slice %arg8[%dma_wait3A_104] : memref<4x!tpu.dma_semaphore, #tpu.memory_space<semaphore_mem>> -> memref<1x!tpu.dma_semaphore, #tpu.memory_space<semaphore_mem>>
    %dma_wait3A_113 = tpu.memref_squeeze %dma_wait3A_112 : memref<1x!tpu.dma_semaphore, #tpu.memory_space<semaphore_mem>> -> memref<!tpu.dma_semaphore, #tpu.memory_space<semaphore_mem>>
    %dma_wait3A_114 = arith.constant 0 : i32
    %dma_wait3A_115 = arith.constant 0 : i32
    %dma_wait3A_116 = tpu.memref_slice %arg6[%dma_wait3A, %dma_wait3A_114, %dma_wait3A_115] : memref<4x256x64xf32, #tpu.memory_space<vmem>> -> memref<1x256x64xf32, #tpu.memory_space<vmem>>
    %dma_wait3A_117 = tpu.memref_squeeze %dma_wait3A_116 : memref<1x256x64xf32, #tpu.memory_space<vmem>> -> memref<256x64xf32, #tpu.memory_space<vmem>>
    %dma_wait3A_118 = arith.constant 0 : i32
    %dma_wait3A_119 = arith.constant 0 : i32
    %dma_wait3A_120 = tpu.memref_slice %arg4[%dma_wait3A_118, %dma_wait3A_119] : memref<819200x64xf32, #tpu.memory_space<hbm>> -> memref<256x64xf32, #tpu.memory_space<hbm>>
    tpu.wait_dma2 semaphore(%dma_wait3A_113 : memref<!tpu.dma_semaphore, #tpu.memory_space<semaphore_mem>>) src(%dma_wait3A_120 : memref<256x64xf32, #tpu.memory_space<hbm>>) dst(%dma_wait3A_117 : memref<256x64xf32, #tpu.memory_space<vmem>>)
    %dma_wait3A_121 = arith.constant 1 : i32
    %dma_wait3A_122 = arith.constant 1 : i32
    %dma_wait3A_123 = arith.constant 0 : i32
    %dma_wait3A_124 = arith.constant 0 : i32
    %dma_wait3A_125 = tpu.memref_slice %arg6[%dma_wait3A_121, %dma_wait3A_123, %dma_wait3A_124] : memref<4x256x64xf32, #tpu.memory_space<vmem>> -> memref<1x256x64xf32, #tpu.memory_space<vmem>>
    %dma_wait3A_126 = tpu.memref_squeeze %dma_wait3A_125 : memref<1x256x64xf32, #tpu.memory_space<vmem>> -> memref<256x64xf32, #tpu.memory_space<vmem>>
    %dma_wait3A_127 = arith.constant 0 : i32
    %dma_wait3A_128 = arith.constant 0 : i32
    %dma_wait3A_129 = tpu.memref_slice %arg4[%dma_wait3A_127, %dma_wait3A_128] : memref<819200x64xf32, #tpu.memory_space<hbm>> -> memref<256x64xf32, #tpu.memory_space<hbm>>
    %dma_wait3A_130 = tpu.memref_slice %arg8[%dma_wait3A_122] : memref<4x!tpu.dma_semaphore, #tpu.memory_space<semaphore_mem>> -> memref<1x!tpu.dma_semaphore, #tpu.memory_space<semaphore_mem>>
    %dma_wait3A_131 = tpu.memref_squeeze %dma_wait3A_130 : memref<1x!tpu.dma_semaphore, #tpu.memory_space<semaphore_mem>> -> memref<!tpu.dma_semaphore, #tpu.memory_space<semaphore_mem>>
    %dma_wait3A_132 = arith.constant 0 : i32
    %dma_wait3A_133 = arith.constant 0 : i32
    %dma_wait3A_134 = tpu.memref_slice %arg6[%dma_wait3A_121, %dma_wait3A_132, %dma_wait3A_133] : memref<4x256x64xf32, #tpu.memory_space<vmem>> -> memref<1x256x64xf32, #tpu.memory_space<vmem>>
    %dma_wait3A_135 = tpu.memref_squeeze %dma_wait3A_134 : memref<1x256x64xf32, #tpu.memory_space<vmem>> -> memref<256x64xf32, #tpu.memory_space<vmem>>
    %dma_wait3A_136 = arith.constant 0 : i32
    %dma_wait3A_137 = arith.constant 0 : i32
    %dma_wait3A_138 = tpu.memref_slice %arg4[%dma_wait3A_136, %dma_wait3A_137] : memref<819200x64xf32, #tpu.memory_space<hbm>> -> memref<256x64xf32, #tpu.memory_space<hbm>>
    tpu.wait_dma2 semaphore(%dma_wait3A_131 : memref<!tpu.dma_semaphore, #tpu.memory_space<semaphore_mem>>) src(%dma_wait3A_138 : memref<256x64xf32, #tpu.memory_space<hbm>>) dst(%dma_wait3A_135 : memref<256x64xf32, #tpu.memory_space<vmem>>)
    %dma_wait3A_139 = arith.constant 2 : i32
    %dma_wait3A_140 = arith.constant 2 : i32
    %dma_wait3A_141 = arith.constant 0 : i32
    %dma_wait3A_142 = arith.constant 0 : i32
    %dma_wait3A_143 = tpu.memref_slice %arg6[%dma_wait3A_139, %dma_wait3A_141, %dma_wait3A_142] : memref<4x256x64xf32, #tpu.memory_space<vmem>> -> memref<1x256x64xf32, #tpu.memory_space<vmem>>
    %dma_wait3A_144 = tpu.memref_squeeze %dma_wait3A_143 : memref<1x256x64xf32, #tpu.memory_space<vmem>> -> memref<256x64xf32, #tpu.memory_space<vmem>>
    %dma_wait3A_145 = arith.constant 0 : i32
    %dma_wait3A_146 = arith.constant 0 : i32
    %dma_wait3A_147 = tpu.memref_slice %arg4[%dma_wait3A_145, %dma_wait3A_146] : memref<819200x64xf32, #tpu.memory_space<hbm>> -> memref<256x64xf32, #tpu.memory_space<hbm>>
    %dma_wait3A_148 = tpu.memref_slice %arg8[%dma_wait3A_140] : memref<4x!tpu.dma_semaphore, #tpu.memory_space<semaphore_mem>> -> memref<1x!tpu.dma_semaphore, #tpu.memory_space<semaphore_mem>>
    %dma_wait3A_149 = tpu.memref_squeeze %dma_wait3A_148 : memref<1x!tpu.dma_semaphore, #tpu.memory_space<semaphore_mem>> -> memref<!tpu.dma_semaphore, #tpu.memory_space<semaphore_mem>>
    %dma_wait3A_150 = arith.constant 0 : i32
    %dma_wait3A_151 = arith.constant 0 : i32
    %dma_wait3A_152 = tpu.memref_slice %arg6[%dma_wait3A_139, %dma_wait3A_150, %dma_wait3A_151] : memref<4x256x64xf32, #tpu.memory_space<vmem>> -> memref<1x256x64xf32, #tpu.memory_space<vmem>>
    %dma_wait3A_153 = tpu.memref_squeeze %dma_wait3A_152 : memref<1x256x64xf32, #tpu.memory_space<vmem>> -> memref<256x64xf32, #tpu.memory_space<vmem>>
    %dma_wait3A_154 = arith.constant 0 : i32
    %dma_wait3A_155 = arith.constant 0 : i32
    %dma_wait3A_156 = tpu.memref_slice %arg4[%dma_wait3A_154, %dma_wait3A_155] : memref<819200x64xf32, #tpu.memory_space<hbm>> -> memref<256x64xf32, #tpu.memory_space<hbm>>
    tpu.wait_dma2 semaphore(%dma_wait3A_149 : memref<!tpu.dma_semaphore, #tpu.memory_space<semaphore_mem>>) src(%dma_wait3A_156 : memref<256x64xf32, #tpu.memory_space<hbm>>) dst(%dma_wait3A_153 : memref<256x64xf32, #tpu.memory_space<vmem>>)
    %dma_wait3A_157 = arith.constant 3 : i32
    %dma_wait3A_158 = arith.constant 3 : i32
    %dma_wait3A_159 = arith.constant 0 : i32
    %dma_wait3A_160 = arith.constant 0 : i32
    %dma_wait3A_161 = tpu.memref_slice %arg6[%dma_wait3A_157, %dma_wait3A_159, %dma_wait3A_160] : memref<4x256x64xf32, #tpu.memory_space<vmem>> -> memref<1x256x64xf32, #tpu.memory_space<vmem>>
    %dma_wait3A_162 = tpu.memref_squeeze %dma_wait3A_161 : memref<1x256x64xf32, #tpu.memory_space<vmem>> -> memref<256x64xf32, #tpu.memory_space<vmem>>
    %dma_wait3A_163 = arith.constant 0 : i32
    %dma_wait3A_164 = arith.constant 0 : i32
    %dma_wait3A_165 = tpu.memref_slice %arg4[%dma_wait3A_163, %dma_wait3A_164] : memref<819200x64xf32, #tpu.memory_space<hbm>> -> memref<256x64xf32, #tpu.memory_space<hbm>>
    %dma_wait3A_166 = tpu.memref_slice %arg8[%dma_wait3A_158] : memref<4x!tpu.dma_semaphore, #tpu.memory_space<semaphore_mem>> -> memref<1x!tpu.dma_semaphore, #tpu.memory_space<semaphore_mem>>
    %dma_wait3A_167 = tpu.memref_squeeze %dma_wait3A_166 : memref<1x!tpu.dma_semaphore, #tpu.memory_space<semaphore_mem>> -> memref<!tpu.dma_semaphore, #tpu.memory_space<semaphore_mem>>
    %dma_wait3A_168 = arith.constant 0 : i32
    %dma_wait3A_169 = arith.constant 0 : i32
    %dma_wait3A_170 = tpu.memref_slice %arg6[%dma_wait3A_157, %dma_wait3A_168, %dma_wait3A_169] : memref<4x256x64xf32, #tpu.memory_space<vmem>> -> memref<1x256x64xf32, #tpu.memory_space<vmem>>
    %dma_wait3A_171 = tpu.memref_squeeze %dma_wait3A_170 : memref<1x256x64xf32, #tpu.memory_space<vmem>> -> memref<256x64xf32, #tpu.memory_space<vmem>>
    %dma_wait3A_172 = arith.constant 0 : i32
    %dma_wait3A_173 = arith.constant 0 : i32
    %dma_wait3A_174 = tpu.memref_slice %arg4[%dma_wait3A_172, %dma_wait3A_173] : memref<819200x64xf32, #tpu.memory_space<hbm>> -> memref<256x64xf32, #tpu.memory_space<hbm>>
    tpu.wait_dma2 semaphore(%dma_wait3A_167 : memref<!tpu.dma_semaphore, #tpu.memory_space<semaphore_mem>>) src(%dma_wait3A_174 : memref<256x64xf32, #tpu.memory_space<hbm>>) dst(%dma_wait3A_171 : memref<256x64xf32, #tpu.memory_space<vmem>>)
    return
  }
}

</mosaic_0001>

<sc_bundles>
// kernel: kernel.3.cloned.1.call-start
scs
__scs_entry_jumppad:
0x0: {  	(pc) =	sbr.rel $0x88, $3  }
0x1: {  	(tag) =	ssettag $0x0;
	lr =	simm.s32 $0x1  }
0x2: {  	[smem:$0x3F9F] =	sst lr;
	_ =	strace $0xD0000000  }
0x3: {  	_ = 	snop  }
0x4: {  	_ = 	snop  }
0x5: {  	_ = 	snop  }
0x6: {  	_ = 	snop  }
0x7: {  	_ = 	snop  }
__scs_overlays_trampoline_lowered:
0x8: {  	[smem:$0x3FAE] =	sst s0  }
0x9: {  	[smem:$0x3FAF] =	sst s1  }
0xa: {  	[smem:$0x3FB0] =	sst s2  }
0xb: {  	[smem:$0x3FB1] =	sst s3  }
0xc: {  	[smem:$0x3FB2] =	sst s4  }
0xd: {  	[smem:$0x3FB3] =	sst s5  }
0xe: {  	[smem:$0x3FB4] =	sst s6  }
0xf: {  	[smem:$0x3FB5] =	sst s7  }
0x10: {  	[smem:$0x3FB6] =	sst s8  }
0x11: {  	[smem:$0x3FB7] =	sst s9;
	s0 =	simm.s32 @!p0 $0x0  }
0x12: {  	s1 =	sld [smem:$0x3F9D];
	s0 =	simm.s32 @p0 $0x1  }
0x13: {  	[smem:$0x3FB8] =	sst s0;
	s0 =	simm.s32 @!p1 $0x0  }
0x14: {  	s2 =	sld [smem:$0x3F9C];
	s0 =	simm.s32 @p1 $0x1  }
0x15: {  	[smem:$0x3FB9] =	sst s0;
	s0 =	simm.s32 @!p2 $0x0  }
0x16: {  	s3 =	sld [smem:$0x3FDB];
	s0 =	simm.s32 @p2 $0x1  }
0x17: {  	s4 =	simm.s32 $0x1BF5;
	[smem:$0x3FBB] =	sst s0  }
0x18: {  	s0 =	sld [smem:$0x3F9E];
	_ =	swait.ge [sflag:s4], $0x0  }
0x19: {  	s7 =	sld [smem:$0x3F9F]  }
0x1a: {  	s8 =	sadd.s32 $0xFFFFE003, lr  }
0x1b: {  	s9 =	sadd.s32 $0xFFFFFEF7, lr;
	s5 =	simm.s32 $0xFFFFFFFF;
	p2 =	slt.u32 s8, $0xFFFFF086  }
0x1c: {  	p1 =	slt.u32 s9, $0xF7A;
	s5 =	simm.s32 @!p2 $0x0  }
0x1d: {  	s5 =	simm.s32 @p1 $0x1;
	p0 =	seq.s32 s7, s2  }
0x1e: {  	s7 =	smul.u32 @!p0 $0xF7A, s2;
	p2 =	seq.s32 @!p0 s5, $0x0  }
0x1f: {  	s9 =	smul.u32 $0xF7A, s1;
	s8 =	simm.s32 @!p0 $0x1BF5;
	p2 =	por !p2, p0  }
0x20: {  	[sflag:s8] =	ssyncset.s32 @!p0 $0xFFFFF086;
	s6 =	sadd.s32 @!p0 s3, s7;
	s7 =	simm.s32 @!p0 $0x108  }
0x21: {  	s3 =	sadd.s32 s3, s9;
	s6 =	sadd.s32 @!p0 $0x88, s6;
	s7 =	simm.s32 @p2 $0x1082  }
0x22: {  	[simem:s7], [sflag:s8] =	dma.local @!p0 [hbm:s6], $0xF7A  }
0x23: {  	s9 =	sor.u32 $0xD0000000, s2;
	s6 =	simm.s32 $0x108;
	_ =	swait.ge @!p0 [sflag:s8], $0x0  }
0x24: {  	s3 =	sadd.s32 $0x88, s3;
	s6 =	simm.s32 @!p1 $0x1082;
	[sflag:s4] =	ssyncset.s32 $0xFFFFF086  }
0x25: {  	[simem:s6], [sflag:s4] =	dma.local [hbm:s3], $0xF7A  }
0x26: {  	[smem:$0x3F9F] =	sst s1;
	(tag) =	ssettag s2;
	_ =	strace s9  }
0x27: {  	s1 =	sld [smem:$0x3FAF]  }
0x28: {  	s2 =	sld [smem:$0x3FB0]  }
0x29: {  	s4 =	sld [smem:$0x3FB2]  }
0x2a: {  	p0 =	seq.s32 s5, $0x0;
	s5 =	sld [smem:$0x3FB3]  }
0x2b: {  	s6 =	sld [smem:$0x3FB4]  }
0x2c: {  	s7 =	sld [smem:$0x3FB5]  }
0x2d: {  	s3 =	simm.s32 $0x108;
	s8 =	sld [smem:$0x3FB6]  }
0x2e: {  	s3 =	simm.s32 @!p0 $0x1082;
	s9 =	sld [smem:$0x3FB7]  }
0x2f: {  	lr =	sadd.s32 s0, s3;
	s0 =	sld [smem:$0x3FAE]  }
0x30: {  	s3 =	sld [smem:$0x3FB1]  }
0x31: {  	[smem:$0x3FBA] =	sst s10  }
0x32: {  	s10 =	sld [smem:$0x3FB8];
	_ =	sdelay $0x3  }
0x33: {  	p0 =	seq.s32 s10, $0x1;
	s10 =	sld [smem:$0x3FBA];
	_ =	sdelay $0x3  }
0x34: {  	[smem:$0x3FBA] =	sst s10  }
0x35: {  	s10 =	sld [smem:$0x3FB9];
	_ =	sdelay $0x3  }
0x36: {  	p1 =	seq.s32 s10, $0x1;
	s10 =	sld [smem:$0x3FBA];
	_ =	sdelay $0x3  }
0x37: {  	[smem:$0x3FBA] =	sst s10  }
0x38: {  	s10 =	sld [smem:$0x3FBB]  }
0x39: {  	_ = 	snop;
	(pc) =	sbr.ind lr, $3  }
0x3a: {  	_ = 	snop  }
0x3b: {  	_ = 	snop  }
0x3c: {  	p2 =	seq.s32 s10, $0x1;
	s10 =	sld [smem:$0x3FBA]  }
0x3d: {  	_ =	shalt  }
0x3e: {  	_ =	shalt  }
0x3f: {  	_ =	shalt  }
0x40: {  	_ =	shalt  }
0x41: {  	_ =	shalt  }
0x42: {  	_ =	shalt  }
0x43: {  	_ =	shalt  }
0x44: {  	_ =	shalt  }
0x45: {  	_ =	shalt  }
0x46: {  	_ =	shalt  }
0x47: {  	_ =	shalt  }
0x48: {  	_ =	shalt  }
0x49: {  	_ =	shalt  }
0x4a: {  	_ =	shalt  }
0x4b: {  	_ =	shalt  }
0x4c: {  	_ =	shalt  }
0x4d: {  	_ =	shalt  }
0x4e: {  	_ =	shalt  }
0x4f: {  	_ =	shalt  }
0x50: {  	_ =	shalt  }
0x51: {  	_ =	shalt  }
0x52: {  	_ =	shalt  }
0x53: {  	_ =	shalt  }
0x54: {  	_ =	shalt  }
0x55: {  	_ =	shalt  }
0x56: {  	_ =	shalt  }
0x57: {  	_ =	shalt  }
0x58: {  	_ =	shalt  }
0x59: {  	_ =	shalt  }
0x5a: {  	_ =	shalt  }
0x5b: {  	_ =	shalt  }
0x5c: {  	_ =	shalt  }
0x5d: {  	_ =	shalt  }
0x5e: {  	_ =	shalt  }
0x5f: {  	_ =	shalt  }
0x60: {  	_ =	shalt  }
0x61: {  	_ =	shalt  }
0x62: {  	_ =	shalt  }
0x63: {  	_ =	shalt  }
0x64: {  	_ =	shalt  }
0x65: {  	_ =	shalt  }
0x66: {  	_ =	shalt  }
0x67: {  	_ =	shalt  }
0x68: {  	_ =	shalt  }
0x69: {  	_ =	shalt  }
0x6a: {  	_ =	shalt  }
0x6b: {  	_ =	shalt  }
0x6c: {  	_ =	shalt  }
0x6d: {  	_ =	shalt  }
0x6e: {  	_ =	shalt  }
0x6f: {  	_ =	shalt  }
0x70: {  	_ =	shalt  }
0x71: {  	_ =	shalt  }
0x72: {  	_ =	shalt  }
0x73: {  	_ =	shalt  }
0x74: {  	_ =	shalt  }
0x75: {  	_ =	shalt  }
0x76: {  	_ =	shalt  }
0x77: {  	_ =	shalt  }
0x78: {  	_ =	shalt  }
0x79: {  	_ =	shalt  }
0x7a: {  	_ =	shalt  }
0x7b: {  	_ =	shalt  }
0x7c: {  	_ =	shalt  }
0x7d: {  	_ =	shalt  }
0x7e: {  	_ =	shalt  }
0x7f: {  	_ =	shalt  }
0x80: {  	_ =	shalt  }
0x81: {  	_ =	shalt  }
0x82: {  	_ =	shalt  }
0x83: {  	_ =	shalt  }
0x84: {  	_ =	shalt  }
0x85: {  	_ =	shalt  }
0x86: {  	_ =	shalt  }
0x87: {  	_ =	shalt  }
.Lfunc_end0:
.L_simem_size_0:
called_computation.1_lowered:
.L_overlay_start_0:
0x88: {  	s2 =	sld [smem:$0x3FD9]  }
0x89: {  	s3 =	sld [smem:$0x3FFE];
	_ =	sdelay $0x1  }
0x8a: {  	s1 =	srdreg.scid  }
0x8b: {  	s0 =	sand.u32 $0x1, s1  }
0x8c: {  	s17 =	sshll.u32 s0, $0xA;
	s2 =	sadd.s32 s3, s2  }
0x8d: {  	s2 =	sadd.s32 s2, s17  }
0x8e: {  	[smem:$0x3FC6] =	sst s2  }
0x8f: {  	_ = 	snop  }
0x90: {  	s2 =	sld [smem:$0x3FD0];
	(tm) =	ssettm $0x1  }
0x91: {  	s18 =	sld [smem:$0x3FFB];
	_ =	sdelay $0x3  }
0x92: {  	_ =	strace s18  }
0x93: {  	s3 =	sld [smem:$0x3FFC];
	_ =	sdelay $0x3  }
0x94: {  	_ =	strace s3  }
0x95: {  	s3 =	sld [smem:$0x3FFD];
	_ =	sdelay $0x3  }
0x96: {  	_ =	strace s3  }
0x97: {  	_ =	strace $0x8FFFFFFF  }
0x98: {  	s19 =	sld [smem:$0x3FDB];
	_ =	sdelay $0x1  }
0x99: {  	s4 =	simm.s32 $_scs_section_size  }
0x9a: {  	s5 =	simm.s32 $_size__tile_overlayer_lowered;
	s6 =	simm.s32 $_tile_overlayer_lowered  }
0x9b: {  	s22 =	simm.s32 $0x1BFF;
	s21 =	sshll.u32 s6, $0x1;
	s3 =	sadd.s32 s4, s19  }
0x9c: {  	s7 =	simm.s32 $0x0;
	s20 =	sshll.u32 s5, $0x1;
	s5 =	sadd.s32 s21, s3  }
0x9d: {  	[timem:s7], [sflag:s22] =	dma.local [hbm:s5], s20  }
0x9e: {  	_ =	swait.ge [sflag:s22], s20  }
0x9f: {  	s4 =	ssub.s32 $0x0, s20;
	[sflag:s22] =	ssyncset.done $0x0  }
0xa0: {  	[sflag:s22] =	ssyncadd.s32 s4;
	_ =	sdelay $0x1  }
0xa1: {  	s23 =	simm.s32 $0x1B8B  }
0xa2: {  	_ =	swait.ge [sflag:s23], $0x1  }
0xa3: {  	[sflag:s23] =	ssyncset.done $0x0  }
0xa4: {  	s25 =	simm.s32 $0x1B8E;
	s24 =	sld [smem:$0x3FFE];
	[sflag:s23] =	ssyncadd.s32 $0xFFFFFFFF  }
0xa5: {  	s26 =	simm.s32 $execute0_lowered;
	[smem:$0x3FD2] =	sst s25  }
0xa6: {  	s5 =	sshll.u32 s26, $0x1;
	_ =	strace $0x80000046;
	[dreg:$0x1] =	wrdreg $0xFFFFFFFF  }
0xa7: {  	s28 =	simm.s32 $_size_execute0_lowered;
	s3 =	sadd.s32 s3, s5;
	[dreg:$0x0] =	wrdreg $0x0  }
0xa8: {  	s5 =	sshll.u32 s28, $0x1;
	[dreg:$0x2] =	wrdreg s3  }
0xa9: {  	[dreg:$0x3] =	wrdreg s5  }
0xaa: {  	[dreg:$0x4] =	wrdreg $0xC0  }
0xab: {  	_ =	task [dreg:s7], $0x5FFFF  }
0xac: {  	[dreg:$0x1] =	wrdreg $0xFFFFFFFF  }
0xad: {  	[dreg:$0x0] =	wrdreg $0x60  }
0xae: {  	[dreg:$0x2] =	wrdreg s24  }
0xaf: {  	[dreg:$0x3] =	wrdreg s2  }
0xb0: {  	[dreg:$0x4] =	wrdreg $0x9  }
0xb1: {  	_ =	task.clear_ibuf [dreg:s7], $0x5FFFF;
	_ =	strace $0x90000046  }
0xb2: {  	s29 =	simm.s32 $0x9;
	_ =	strace $0x80000048  }
0xb3: {  	_ =	swait.ge [sflag:s29], $0x1  }
0xb4: {  	[sflag:s29] =	ssyncadd.s32 $0xFFFFFFFF  }
0xb5: {  	_ =	strace $0x90000048  }
0xb6: {  	_ =	sfence  }
0xb7: {  	s30 =	sld [smem:$0x0];
	_ =	sdelay $0x2  }
0xb8: {  	s31 =	sshll.u32 s1, $0xD;
	s1 =	sshrl.u32 s1, $0x2  }
0xb9: {  	s3 =	sand.u32 $0x4000, s31;
	s1 =	sadd.s32 s1, s30  }
0xba: {  	s0 =	sor.u32 s3, s0;
	s1 =	sshll.u32 s1, $0x11  }
0xbb: {  	s0 =	sor.u32 s1, s0  }
0xbc: {  	s0 =	sadd.s32 $0x8F2B, s0  }
0xbd: {  	[sflag:s0] =	ssyncadd.remote.s32 $0x1  }
0xbe: {  	_ =	sfence.sel $0xFFFF  }
0xbf: {  	[dreg:$0x0] =	wrdreg $0xFFFFFFFF;
	(pc) =	sbr.abs _section_cstart, $3  }
0xc0: {  	[dreg:$0x1] =	wrdreg $0xFFFFFFFF  }
0xc1: {  	_ =	task.clear_ibuf [dreg:s7], $0x2FFFF;
	_ =	strace $0x9FFFFFFF  }
0xc2: {  	(tm) =	ssettm $0x7FFFFFFF  }
0xc3: {  	_ =	shalt  }
tec
execute0_lowered:
.L_overlay_start_1:
0x0: {  	(tag) =	ssettag $0x1  }
0x1: {  	s0 =	srdreg.scid  }
0x2: {  	s1 =	stileid.u32;
	s4 =	rddreg [dreg:$0x0]  }
0x3: {  	s2 =	rddreg [dreg:$0x1];
	s3 =	simm.s32 $0x0;
	s10 =	simm.s32 $0x9  }
0x4: {  	s11 =	simm.s32 $0x80;
	s12 =	simm.s32 $0x6400;
	s15 =	simm.s32 $0xA400  }
0x5: {  	s19 =	simm.s32 $0xE400;
	s21 =	simm.s32 $0x10400;
	s22 =	simm.s32 $0x12400  }
0x6: {  	s23 =	simm.s32 $0x14400;
	s24 =	simm.s32 $0x1;
	s25 =	simm.s32 $0x2  }
0x7: {  	s26 =	simm.s32 $0x3;
	s28 =	simm.s32 $0x4;
	s29 =	simm.s32 $0x5  }
0x8: {  	s30 =	simm.s32 $0x6;
	s0 =	sand.u32 $0x1, s0;
	s1 =	sshll.u32 s1, $0x1  }
0x9: {  	s31 =	simm.s32 $0x7;
	s1 =	sor.u32 s0, s1;
	s0 =	ssub.s32 $0x2, s0  }
0xa: {  	[smem:$0x7FF] =	sst s3;
	s8 =	smul.u32 $0x6400, s1;
	s6 =	sshrl.u32 s0, $0x1  }
0xb: {  	_ =	strace $0x80000047;
	s0 =	ssub.s32 s0, s6;
	s6 =	smul.u32 $0x190000, s1  }
0xc: {  	s1 =	simm.s32 $0x8;
	s5 =	sshrl.u32 s8, $0x3;
	s7 =	sor.u32 $0x100, s8  }
0xd: {  	s8 =	sor.u32 $0x200, s8;
	s9 =	smax.u32 s0, $0x1;
	s5 =	sadd.s32 s5, s4  }
0xe: {  	s0 =	simm.s32 $0x0;
	s4 =	sadd.s32 $0xF42E00, s4;
	s5 =	sadd.s32 $0xA00, s5  }
.LBB2_1:
0xf: {  	[tilespmem:s3], [sflag:$0x9] =	stream.linear.gather [hbm4b:s5+s3], $0x6400, $0x38;
	[tilespmem:$0x16400] =	vst v63  }
0x10: {  	_ =	swait.ge [sflag:s10], $0x6400  }
0x11: {  	[sflag:s10] =	ssyncset.done $0x0  }
0x12: {  	[sflag:s10] =	ssyncadd.s32 $0xFFFF9C00  }
0x13: {  	[tilespmem:s12], [sflag:$0x1] =	stream.indirect.gather [hbm4b:s4+s11], $0x40, s3, s11, $0xb8;
	[tilespmem:$0x16400] =	vst v63  }
0x14: {  	s13 =	simm.s32 $0x8400  }
0x15: {  	[tilespmem:s13], [sflag:$0x1] =	stream.indirect.gather [hbm4b:s4+s11], $0x40, s11, s11, $0xb8;
	[tilespmem:$0x16400] =	vst v63  }
0x16: {  	s16 =	simm.s32 $0x100  }
0x17: {  	[tilespmem:s15], [sflag:$0x2] =	stream.indirect.gather [hbm4b:s4+s11], $0x40, s16, s11, $0xb8;
	[tilespmem:$0x16400] =	vst v63  }
0x18: {  	s17 =	simm.s32 $0x180;
	s14 =	simm.s32 $0xC400  }
0x19: {  	[tilespmem:s14], [sflag:$0x2] =	stream.indirect.gather [hbm4b:s4+s11], $0x40, s17, s11, $0xb8;
	[tilespmem:$0x16400] =	vst v63  }
0x1a: {  	s18 =	simm.s32 $0x200  }
0x1b: {  	[tilespmem:s19], [sflag:$0x3] =	stream.indirect.gather [hbm4b:s4+s11], $0x40, s18, s11, $0xb8;
	[tilespmem:$0x16400] =	vst v63  }
0x1c: {  	s20 =	simm.s32 $0x280;
	s13 =	simm.s32 $0x0  }
0x1d: {  	[tilespmem:s21], [sflag:$0x3] =	stream.indirect.gather [hbm4b:s4+s11], $0x40, s20, s11, $0xb8;
	[tilespmem:$0x16400] =	vst v63  }
.LBB2_2:
0x1e: {  	p0 =	seq.s32 s13, $0x0  }
0x1f: {  	s16 =	simm.s32 @!p0 $0x8  }
0x20: {  	s14 =	sshllo.u32 s13, $0x2;
	_ =	swait.ge @!p0 [sflag:s16], $0x4000  }
0x21: {  	s17 =	sshll.u32 s14, $0x8;
	[sflag:s16] =	ssyncset.done @!p0 $0x0  }
0x22: {  	s20 =	sand.u32 $0x3FFFFF00, s17;
	[sflag:s16] =	ssyncadd.s32 @!p0 $0xFFFFC000  }
0x23: {  	[tilespmem:s22], [sflag:$0x4] =	stream.indirect.gather [hbm4b:s4+s11], $0x40, s20, s11, $0xb8;
	[tilespmem:$0x16400] =	vst v63  }
0x24: {  	s16 =	sor.u32 $0x80, s20  }
0x25: {  	[tilespmem:s23], [sflag:$0x4] =	stream.indirect.gather [hbm4b:s4+s11], $0x40, s16, s11, $0xb8;
	[tilespmem:$0x16400] =	vst v63  }
0x26: {  	_ =	swait.ge [sflag:s24], $0x4000  }
0x27: {  	[sflag:s24] =	ssyncset.done $0x0  }
0x28: {  	s16 =	simm.s32 $0x0;
	[sflag:s24] =	ssyncadd.s32 $0xFFFFC000  }
0x29: {  	v3 =	vld [tilespmem:s16+$0x6400]  }
0x2a: {  	v5 =	vld [tilespmem:s16+$0x6410]  }
0x2b: {  	v4 =	vld [tilespmem:s16+$0x6420]  }
0x2c: {  	v2 =	vld [tilespmem:s16+$0x6430]  }
0x2d: {  	v0 =	vld [tilespmem:s16+$0x6440]  }
0x2e: {  	v1 =	vld [tilespmem:s16+$0x6450];
	v6 =	vmul.f32 $8.000000000e+00, v3  }
0x2f: {  	s17 =	simm.s32 $0x200;
	v5 =	vmul.f32 $8.000000000e+00, v5;
	v3 =	vld [tilespmem:s16+$0x6460]  }
.LBB2_3:
0x30: {  	s18 =	sshra.s32 s17, $0x2;
	p0 =	sne.s32 s17, $0xFE00;
	[tilespmem:s16+$0x6400] =	vst v6;
	v4 =	vmul.f32 $8.000000000e+00, v4;
	v6 =	vld [tilespmem:s16+$0x6470]  }
0x31: {  	v7 =	vld [tilespmem:s18+$0x6400];
	[tilespmem:s16+$0x6410] =	vst v5;
	v2 =	vmul.f32 $8.000000000e+00, v2  }
0x32: {  	v5 =	vld [tilespmem:s18+$0x6410];
	[tilespmem:s16+$0x6420] =	vst v4;
	v0 =	vmul.f32 $8.000000000e+00, v0  }
.Ltmp0:
0x33: {  	v4 =	vld [tilespmem:s18+$0x6420];
	[tilespmem:s16+$0x6430] =	vst v2;
	v1 =	vmul.f32 $8.000000000e+00, v1;
	(pc) =	sbr.rel @p0 .LBB2_3-.Ltmp0, $4  }
0x34: {  	v2 =	vld [tilespmem:s18+$0x6430];
	[tilespmem:s16+$0x6440] =	vst v0;
	v3 =	vmul.f32 $8.000000000e+00, v3  }
0x35: {  	v0 =	vld [tilespmem:s18+$0x6440];
	[tilespmem:s16+$0x6450] =	vst v1;
	v8 =	vmul.f32 $8.000000000e+00, v6  }
0x36: {  	v6 =	vmul.f32 $8.000000000e+00, v7;
	v1 =	vld [tilespmem:s18+$0x6450];
	[tilespmem:s16+$0x6460] =	vst v3  }
0x37: {  	s17 =	sadd.s32 $0x200, s17;
	v5 =	vmul.f32 $8.000000000e+00, v5;
	v3 =	vld [tilespmem:s18+$0x6460];
	[tilespmem:s16+$0x6470] =	vst v8;
	s16 =	smov.u32 s18  }
0x38: {  	[tilespmem:s16+$0x6400] =	vst v6;
	v4 =	vmul.f32 $8.000000000e+00, v4;
	v6 =	vld [tilespmem:s16+$0x6470]  }
0x39: {  	[tilespmem:s16+$0x6410] =	vst v5;
	v2 =	vmul.f32 $8.000000000e+00, v2  }
0x3a: {  	[tilespmem:s16+$0x6420] =	vst v4;
	v0 =	vmul.f32 $8.000000000e+00, v0  }
0x3b: {  	[tilespmem:s16+$0x6430] =	vst v2;
	v1 =	vmul.f32 $8.000000000e+00, v1  }
0x3c: {  	s17 =	sshll.u32 s13, $0x10;
	[tilespmem:s16+$0x6440] =	vst v0;
	v0 =	vmul.f32 $8.000000000e+00, v3  }
0x3d: {  	s17 =	sadd.s32 s6, s17;
	[tilespmem:s16+$0x6450] =	vst v1;
	v1 =	vmul.f32 $8.000000000e+00, v6  }
0x3e: {  	p0 =	seq.s32 s13, $0x18;
	s17 =	sshrl.u32 s17, $0x3;
	[tilespmem:s16+$0x6460] =	vst v0  }
0x3f: {  	s20 =	sadd.s32 s2, s17;
	[tilespmem:s16+$0x6470] =	vst v1;
	s16 =	simm.s32 @!p0 $0x5  }
0x40: {  	[hbm4b:s20+s3] =	stream.linear.scatter [tilespmem:s12], [sflag:$0x5], $0x4000, $0x38;
	[tilespmem:$0x16400] =	vst v63  }
0x41: {  	_ =	swait.ge @!p0 [sflag:s16], $0x4000  }
0x42: {  	s17 =	sshll.u32 @!p0 s13, $0xA;
	[sflag:s16] =	ssyncset.done @!p0 $0x0  }
0x43: {  	[sflag:s16] =	ssyncadd.s32 @!p0 $0xFFFFC000;
	s16 =	sand.u32 @!p0 $0x3FFFFC00, s17  }
0x44: {  	s18 =	simm.s32 @!p0 $0x80;
	s20 =	simm.s32 @!p0 $0x6400;
	s17 =	sadd.s32 @!p0 $0x400, s16  }
0x45: {  	[tilespmem:s20], [sflag:$0x1] =	stream.indirect.gather @!p0 [hbm4b:s4+s18], $0x40, s17, s18, $0xb8;
	[tilespmem:$0x16400] =	vst v63  }
0x46: {  	s16 =	sadd.s32 @!p0 $0x480, s16;
	s17 =	simm.s32 @!p0 $0x8400  }
0x47: {  	[tilespmem:s17], [sflag:$0x1] =	stream.indirect.gather @!p0 [hbm4b:s4+s18], $0x40, s16, s18, $0xb8;
	[tilespmem:$0x16400] =	vst v63  }
0x48: {  	_ =	swait.ge [sflag:s25], $0x4000  }
0x49: {  	[sflag:s25] =	ssyncset.done $0x0  }
0x4a: {  	s17 =	simm.s32 $0x0;
	[sflag:s25] =	ssyncadd.s32 $0xFFFFC000  }
0x4b: {  	v2 =	vld [tilespmem:s17+$0xA400]  }
0x4c: {  	v5 =	vld [tilespmem:s17+$0xA410]  }
0x4d: {  	v4 =	vld [tilespmem:s17+$0xA420]  }
0x4e: {  	v3 =	vld [tilespmem:s17+$0xA430]  }
0x4f: {  	v0 =	vld [tilespmem:s17+$0xA440]  }
0x50: {  	v1 =	vld [tilespmem:s17+$0xA450];
	v6 =	vmul.f32 $8.000000000e+00, v2  }
0x51: {  	s16 =	simm.s32 $0x200;
	v5 =	vmul.f32 $8.000000000e+00, v5;
	v2 =	vld [tilespmem:s17+$0xA460]  }
.LBB2_5:
0x52: {  	s18 =	sshra.s32 s16, $0x2;
	p1 =	sne.s32 s16, $0xFE00;
	[tilespmem:s17+$0xA400] =	vst v6;
	v4 =	vmul.f32 $8.000000000e+00, v4;
	v6 =	vld [tilespmem:s17+$0xA470]  }
0x53: {  	v7 =	vld [tilespmem:s18+$0xA400];
	[tilespmem:s17+$0xA410] =	vst v5;
	v3 =	vmul.f32 $8.000000000e+00, v3  }
0x54: {  	v5 =	vld [tilespmem:s18+$0xA410];
	[tilespmem:s17+$0xA420] =	vst v4;
	v0 =	vmul.f32 $8.000000000e+00, v0  }
.Ltmp1:
0x55: {  	v4 =	vld [tilespmem:s18+$0xA420];
	[tilespmem:s17+$0xA430] =	vst v3;
	v1 =	vmul.f32 $8.000000000e+00, v1;
	(pc) =	sbr.rel @p1 .LBB2_5-.Ltmp1, $4  }
0x56: {  	v3 =	vld [tilespmem:s18+$0xA430];
	[tilespmem:s17+$0xA440] =	vst v0;
	v2 =	vmul.f32 $8.000000000e+00, v2  }
0x57: {  	v0 =	vld [tilespmem:s18+$0xA440];
	[tilespmem:s17+$0xA450] =	vst v1;
	v8 =	vmul.f32 $8.000000000e+00, v6  }
0x58: {  	v6 =	vmul.f32 $8.000000000e+00, v7;
	v1 =	vld [tilespmem:s18+$0xA450];
	[tilespmem:s17+$0xA460] =	vst v2  }
0x59: {  	s16 =	sadd.s32 $0x200, s16;
	v5 =	vmul.f32 $8.000000000e+00, v5;
	v2 =	vld [tilespmem:s18+$0xA460];
	[tilespmem:s17+$0xA470] =	vst v8;
	s17 =	smov.u32 s18  }
0x5a: {  	[tilespmem:s17+$0xA400] =	vst v6;
	v4 =	vmul.f32 $8.000000000e+00, v4;
	v6 =	vld [tilespmem:s17+$0xA470]  }
0x5b: {  	[tilespmem:s17+$0xA410] =	vst v5;
	v3 =	vmul.f32 $8.000000000e+00, v3  }
0x5c: {  	[tilespmem:s17+$0xA420] =	vst v4;
	v0 =	vmul.f32 $8.000000000e+00, v0  }
0x5d: {  	s16 =	sshll.u32 s13, $0xA;
	[tilespmem:s17+$0xA430] =	vst v3;
	v1 =	vmul.f32 $8.000000000e+00, v1  }
0x5e: {  	s18 =	sadd.s32 s16, s7;
	[tilespmem:s17+$0xA440] =	vst v0;
	v0 =	vmul.f32 $8.000000000e+00, v2  }
0x5f: {  	s18 =	sshll.u32 s18, $0x3;
	[tilespmem:s17+$0xA450] =	vst v1;
	v1 =	vmul.f32 $8.000000000e+00, v6  }
0x60: {  	s18 =	sand.u32 $0x1FFFE800, s18;
	[tilespmem:s17+$0xA460] =	vst v0  }
0x61: {  	s20 =	sadd.s32 s2, s18;
	[tilespmem:s17+$0xA470] =	vst v1;
	s17 =	simm.s32 @!p0 $0x6  }
0x62: {  	[hbm4b:s20+s3] =	stream.linear.scatter [tilespmem:s15], [sflag:$0x6], $0x4000, $0x38;
	[tilespmem:$0x16400] =	vst v63  }
0x63: {  	_ =	swait.ge @!p0 [sflag:s17], $0x4000  }
0x64: {  	s18 =	simm.s32 @!p0 $0x80;
	[sflag:s17] =	ssyncset.done @!p0 $0x0  }
0x65: {  	s20 =	simm.s32 @!p0 $0xA400;
	[sflag:s17] =	ssyncadd.s32 @!p0 $0xFFFFC000;
	s17 =	sadd.s32 @!p0 $0x500, s16  }
0x66: {  	[tilespmem:s20], [sflag:$0x2] =	stream.indirect.gather @!p0 [hbm4b:s4+s18], $0x40, s17, s18, $0xb8;
	[tilespmem:$0x16400] =	vst v63  }
0x67: {  	s17 =	sadd.s32 @!p0 $0x580, s16;
	s20 =	simm.s32 @!p0 $0xC400  }
0x68: {  	[tilespmem:s20], [sflag:$0x2] =	stream.indirect.gather @!p0 [hbm4b:s4+s18], $0x40, s17, s18, $0xb8;
	[tilespmem:$0x16400] =	vst v63  }
0x69: {  	_ =	swait.ge [sflag:s26], $0x4000  }
0x6a: {  	[sflag:s26] =	ssyncset.done $0x0  }
0x6b: {  	s17 =	simm.s32 $0x0;
	[sflag:s26] =	ssyncadd.s32 $0xFFFFC000  }
0x6c: {  	v3 =	vld [tilespmem:s17+$0xE400]  }
0x6d: {  	v5 =	vld [tilespmem:s17+$0xE410]  }
0x6e: {  	v4 =	vld [tilespmem:s17+$0xE420]  }
0x6f: {  	v2 =	vld [tilespmem:s17+$0xE430]  }
0x70: {  	v0 =	vld [tilespmem:s17+$0xE440]  }
0x71: {  	v1 =	vld [tilespmem:s17+$0xE450];
	v6 =	vmul.f32 $8.000000000e+00, v3  }
0x72: {  	s18 =	simm.s32 $0x200;
	v5 =	vmul.f32 $8.000000000e+00, v5;
	v3 =	vld [tilespmem:s17+$0xE460]  }
.LBB2_7:
0x73: {  	s20 =	sshra.s32 s18, $0x2;
	p1 =	sne.s32 s18, $0xFE00;
	[tilespmem:s17+$0xE400] =	vst v6;
	v4 =	vmul.f32 $8.000000000e+00, v4;
	v6 =	vld [tilespmem:s17+$0xE470]  }
0x74: {  	v7 =	vld [tilespmem:s20+$0xE400];
	[tilespmem:s17+$0xE410] =	vst v5;
	v2 =	vmul.f32 $8.000000000e+00, v2  }
0x75: {  	v5 =	vld [tilespmem:s20+$0xE410];
	[tilespmem:s17+$0xE420] =	vst v4;
	v0 =	vmul.f32 $8.000000000e+00, v0  }
.Ltmp2:
0x76: {  	v4 =	vld [tilespmem:s20+$0xE420];
	[tilespmem:s17+$0xE430] =	vst v2;
	v1 =	vmul.f32 $8.000000000e+00, v1;
	(pc) =	sbr.rel @p1 .LBB2_7-.Ltmp2, $4  }
0x77: {  	v2 =	vld [tilespmem:s20+$0xE430];
	[tilespmem:s17+$0xE440] =	vst v0;
	v3 =	vmul.f32 $8.000000000e+00, v3  }
0x78: {  	v0 =	vld [tilespmem:s20+$0xE440];
	[tilespmem:s17+$0xE450] =	vst v1;
	v8 =	vmul.f32 $8.000000000e+00, v6  }
0x79: {  	v6 =	vmul.f32 $8.000000000e+00, v7;
	v1 =	vld [tilespmem:s20+$0xE450];
	[tilespmem:s17+$0xE460] =	vst v3  }
0x7a: {  	s18 =	sadd.s32 $0x200, s18;
	v5 =	vmul.f32 $8.000000000e+00, v5;
	v3 =	vld [tilespmem:s20+$0xE460];
	[tilespmem:s17+$0xE470] =	vst v8;
	s17 =	smov.u32 s20  }
0x7b: {  	[tilespmem:s17+$0xE400] =	vst v6;
	v4 =	vmul.f32 $8.000000000e+00, v4;
	v6 =	vld [tilespmem:s17+$0xE470]  }
0x7c: {  	[tilespmem:s17+$0xE410] =	vst v5;
	v2 =	vmul.f32 $8.000000000e+00, v2  }
0x7d: {  	[tilespmem:s17+$0xE420] =	vst v4;
	v0 =	vmul.f32 $8.000000000e+00, v0  }
0x7e: {  	[tilespmem:s17+$0xE430] =	vst v2;
	v1 =	vmul.f32 $8.000000000e+00, v1  }
0x7f: {  	s18 =	sadd.s32 s16, s8;
	[tilespmem:s17+$0xE440] =	vst v0;
	v0 =	vmul.f32 $8.000000000e+00, v3  }
0x80: {  	s18 =	sshll.u32 s18, $0x3;
	[tilespmem:s17+$0xE450] =	vst v1;
	v1 =	vmul.f32 $8.000000000e+00, v6  }
0x81: {  	s18 =	sand.u32 $0x1FFFF000, s18;
	[tilespmem:s17+$0xE460] =	vst v0  }
0x82: {  	s20 =	sadd.s32 s2, s18;
	[tilespmem:s17+$0xE470] =	vst v1;
	s17 =	simm.s32 @!p0 $0x7  }
0x83: {  	[hbm4b:s20+s3] =	stream.linear.scatter [tilespmem:s19], [sflag:$0x7], $0x4000, $0x38;
	[tilespmem:$0x16400] =	vst v63  }
0x84: {  	_ =	swait.ge @!p0 [sflag:s17], $0x4000  }
0x85: {  	s18 =	simm.s32 @!p0 $0x80;
	[sflag:s17] =	ssyncset.done @!p0 $0x0  }
0x86: {  	s20 =	simm.s32 @!p0 $0xE400;
	[sflag:s17] =	ssyncadd.s32 @!p0 $0xFFFFC000;
	s17 =	sadd.s32 @!p0 $0x600, s16  }
0x87: {  	[tilespmem:s20], [sflag:$0x3] =	stream.indirect.gather @!p0 [hbm4b:s4+s18], $0x40, s17, s18, $0xb8;
	[tilespmem:$0x16400] =	vst v63  }
0x88: {  	s16 =	sadd.s32 @!p0 $0x680, s16;
	s17 =	simm.s32 @!p0 $0x10400  }
0x89: {  	[tilespmem:s17], [sflag:$0x3] =	stream.indirect.gather @!p0 [hbm4b:s4+s18], $0x40, s16, s18, $0xb8;
	[tilespmem:$0x16400] =	vst v63  }
0x8a: {  	_ =	swait.ge [sflag:s28], $0x4000  }
0x8b: {  	[sflag:s28] =	ssyncset.done $0x0  }
0x8c: {  	s16 =	simm.s32 $0x0;
	[sflag:s28] =	ssyncadd.s32 $0xFFFFC000  }
0x8d: {  	v3 =	vld [tilespmem:s16+$0x12400]  }
0x8e: {  	v5 =	vld [tilespmem:s16+$0x12410]  }
0x8f: {  	v4 =	vld [tilespmem:s16+$0x12420]  }
0x90: {  	v2 =	vld [tilespmem:s16+$0x12430]  }
0x91: {  	v0 =	vld [tilespmem:s16+$0x12440]  }
0x92: {  	v1 =	vld [tilespmem:s16+$0x12450];
	v6 =	vmul.f32 $8.000000000e+00, v3  }
0x93: {  	s17 =	simm.s32 $0x200;
	v5 =	vmul.f32 $8.000000000e+00, v5;
	v3 =	vld [tilespmem:s16+$0x12460]  }
.LBB2_9:
0x94: {  	s18 =	sshra.s32 s17, $0x2;
	p0 =	sne.s32 s17, $0xFE00;
	[tilespmem:s16+$0x12400] =	vst v6;
	v4 =	vmul.f32 $8.000000000e+00, v4;
	v6 =	vld [tilespmem:s16+$0x12470]  }
0x95: {  	v7 =	vld [tilespmem:s18+$0x12400];
	[tilespmem:s16+$0x12410] =	vst v5;
	v2 =	vmul.f32 $8.000000000e+00, v2  }
0x96: {  	v5 =	vld [tilespmem:s18+$0x12410];
	[tilespmem:s16+$0x12420] =	vst v4;
	v0 =	vmul.f32 $8.000000000e+00, v0  }
.Ltmp3:
0x97: {  	v4 =	vld [tilespmem:s18+$0x12420];
	[tilespmem:s16+$0x12430] =	vst v2;
	v1 =	vmul.f32 $8.000000000e+00, v1;
	(pc) =	sbr.rel @p0 .LBB2_9-.Ltmp3, $4  }
0x98: {  	v2 =	vld [tilespmem:s18+$0x12430];
	[tilespmem:s16+$0x12440] =	vst v0;
	v3 =	vmul.f32 $8.000000000e+00, v3  }
0x99: {  	v0 =	vld [tilespmem:s18+$0x12440];
	[tilespmem:s16+$0x12450] =	vst v1;
	v8 =	vmul.f32 $8.000000000e+00, v6  }
0x9a: {  	v6 =	vmul.f32 $8.000000000e+00, v7;
	v1 =	vld [tilespmem:s18+$0x12450];
	[tilespmem:s16+$0x12460] =	vst v3  }
0x9b: {  	s17 =	sadd.s32 $0x200, s17;
	v5 =	vmul.f32 $8.000000000e+00, v5;
	v3 =	vld [tilespmem:s18+$0x12460];
	[tilespmem:s16+$0x12470] =	vst v8;
	s16 =	smov.u32 s18  }
0x9c: {  	[tilespmem:s16+$0x12400] =	vst v6;
	v4 =	vmul.f32 $8.000000000e+00, v4;
	v61 =	vld [tilespmem:s16+$0x12470]  }
0x9d: {  	[tilespmem:s16+$0x12410] =	vst v5;
	v2 =	vmul.f32 $8.000000000e+00, v2  }
0x9e: {  	s13 =	sadd.s32 $0x1, s13;
	[tilespmem:s16+$0x12420] =	vst v4;
	v0 =	vmul.f32 $8.000000000e+00, v0  }
0x9f: {  	p0 =	sne.s32 s13, $0x19;
	[tilespmem:s16+$0x12430] =	vst v2;
	v1 =	vmul.f32 $8.000000000e+00, v1  }
.Ltmp4:
0xa0: {  	s14 =	sshll.u32 s14, $0xE;
	[tilespmem:s16+$0x12440] =	vst v0;
	v62 =	vmul.f32 $8.000000000e+00, v3;
	(pc) =	sbr.rel @p0 .LBB2_2-.Ltmp4, $4  }
0xa1: {  	s14 =	sadd.s32 s6, s14;
	[tilespmem:s16+$0x12450] =	vst v1;
	v63 =	vmul.f32 $8.000000000e+00, v61  }
0xa2: {  	s14 =	sshrl.u32 s14, $0x3;
	[tilespmem:s16+$0x12460] =	vst v62  }
0xa3: {  	s14 =	sadd.s32 s2, s14;
	[tilespmem:s16+$0x12470] =	vst v63  }
0xa4: {  	[hbm4b:s14+s3] =	stream.linear.scatter [tilespmem:s22], [sflag:$0x8], $0x4000, $0x38;
	[tilespmem:$0x16400] =	vst v63  }
0xa5: {  	_ =	swait.ge [sflag:s29], $0x4000  }
0xa6: {  	[sflag:s29] =	ssyncset.done $0x0  }
0xa7: {  	[sflag:s29] =	ssyncadd.s32 $0xFFFFC000  }
0xa8: {  	_ =	swait.ge [sflag:s30], $0x4000  }
0xa9: {  	[sflag:s30] =	ssyncset.done $0x0  }
0xaa: {  	s0 =	sadd.s32 $0x1, s0;
	[sflag:s30] =	ssyncadd.s32 $0xFFFFC000  }
0xab: {  	p0 =	sne.s32 s0, s9;
	_ =	swait.ge [sflag:s31], $0x4000  }
.Ltmp5:
0xac: {  	[sflag:s31] =	ssyncset.done $0x0;
	(pc) =	sbr.rel @p0 .LBB2_1-.Ltmp5, $4  }
0xad: {  	[sflag:s31] =	ssyncadd.s32 $0xFFFFC000  }
0xae: {  	_ =	swait.ge [sflag:s1], $0x4000  }
0xaf: {  	[sflag:s1] =	ssyncset.done $0x0  }
0xb0: {  	[sflag:s1] =	ssyncadd.s32 $0xFFFFC000  }
0xb1: {  	_ =	sfence.sel $0x180000  }
0xb2: {  	[bflag:$0x0] =	sbarrier.arrive $0xFFFF  }
0xb3: {  	_ =	strace $0x90000047  }
0xb4: {  	s0 =	stileid.u32;
	[bflag:$0x2] =	sbarrier.arrive $0xFFFF  }
0xb5: {  	p0 =	sne.s32 s0, $0x0;
	s0 =	rddreg [dreg:$0x2]  }
0xb6: {  	s0 =	sadd.s32 @!p0 $0x100000, s0  }
0xb7: {  	[sflag:s0] =	ssyncadd.tile.s32 @!p0 $0x1;
	_ =	shalt  }
.Lfunc_end2:
_tile_overlayer_lowered:
.L_overlay_start_2:
0xb8: {  	(tag) =	ssettag $0x2  }
0xb9: {  	s0 =	rddreg [dreg:$0x0];
	s2 =	stileid.u32  }
0xba: {  	s1 =	rddreg [dreg:$0x1];
	p0 =	sne.s32 s2, $0x0  }
0xbb: {  	s3 =	rddreg [dreg:$0x2];
	[bflag:$0x3] =	sbarrier.arrive $0xFFFF;
	s2 =	simm.s32 @!p0 $0x1C09  }
0xbc: {  	[timem:s3], [sflag:s2] =	dma.local @!p0 [hbm:s0], s1  }
0xbd: {  	s0 =	simm.s32 @!p0 $0x9  }
0xbe: {  	_ =	swait.ge @!p0 [sflag:s0], s1  }
0xbf: {  	s1 =	ssub.s32 @!p0 $0x0, s1;
	[sflag:s0] =	ssyncset.done @!p0 $0x0  }
0xc0: {  	[sflag:s0] =	ssyncadd.s32 @!p0 s1  }
0xc1: {  	[bflag:$0x3] =	sbarrier.arrive $0xFFFF  }
0xc2: {  	_ =	shalt  }

// kernel: sparse-core-data-format-call.cloned.1.call-start
scs
called_computation_lowered:
.L_overlay_start_0:
0x0: {  	s2 =	sld [smem:$0x3FD9]  }
0x1: {  	s3 =	sld [smem:$0x3FFE];
	_ =	sdelay $0x1  }
0x2: {  	s1 =	srdreg.scid  }
0x3: {  	s0 =	sand.u32 $0x1, s1  }
0x4: {  	s18 =	sshll.u32 s0, $0xA;
	s2 =	sadd.s32 s3, s2  }
0x5: {  	s2 =	sadd.s32 s2, s18  }
0x6: {  	[smem:$0x3FC6] =	sst s2  }
0x7: {  	_ = 	snop  }
0x8: {  	s2 =	sld [smem:$0x3FD0];
	(tm) =	ssettm $0x1  }
0x9: {  	s19 =	sld [smem:$0x3FFB];
	_ =	sdelay $0x3  }
0xa: {  	_ =	strace s19  }
0xb: {  	s3 =	sld [smem:$0x3FFC];
	_ =	sdelay $0x3  }
0xc: {  	_ =	strace s3  }
0xd: {  	s3 =	sld [smem:$0x3FFD];
	_ =	sdelay $0x3  }
0xe: {  	_ =	strace s3  }
0xf: {  	_ =	strace $0x8FFFFFFF  }
0x10: {  	s20 =	sld [smem:$0x3FDB];
	_ =	sdelay $0x1  }
0x11: {  	s4 =	simm.s32 $_scs_section_size  }
0x12: {  	s5 =	simm.s32 $_size__tile_overlayer_lowered;
	s6 =	simm.s32 $_tile_overlayer_lowered  }
0x13: {  	s23 =	simm.s32 $0x1BFF;
	s22 =	sshll.u32 s6, $0x1;
	s3 =	sadd.s32 s4, s20  }
0x14: {  	s7 =	simm.s32 $0x0;
	s21 =	sshll.u32 s5, $0x1;
	s5 =	sadd.s32 s22, s3  }
0x15: {  	[timem:s7], [sflag:s23] =	dma.local [hbm:s5], s21  }
0x16: {  	_ =	swait.ge [sflag:s23], s21  }
0x17: {  	s4 =	ssub.s32 $0x0, s21;
	[sflag:s23] =	ssyncset.done $0x0  }
0x18: {  	[sflag:s23] =	ssyncadd.s32 s4;
	_ =	sdelay $0x1  }
0x19: {  	s24 =	simm.s32 $0x1B8B  }
0x1a: {  	_ =	swait.ge [sflag:s24], $0x1  }
0x1b: {  	[sflag:s24] =	ssyncset.done $0x0  }
0x1c: {  	s26 =	simm.s32 $0x1B8E;
	s25 =	sld [smem:$0x3FFE];
	[sflag:s24] =	ssyncadd.s32 $0xFFFFFFFF  }
0x1d: {  	s27 =	simm.s32 $execute0_lowered;
	[smem:$0x3FD2] =	sst s26  }
0x1e: {  	s5 =	sshll.u32 s27, $0x1;
	_ =	strace $0x80000049;
	[dreg:$0x1] =	wrdreg $0xFFFFFFFF  }
0x1f: {  	s28 =	simm.s32 $_size_execute0_lowered;
	s3 =	sadd.s32 s3, s5;
	[dreg:$0x0] =	wrdreg $0x0  }
0x20: {  	s5 =	sshll.u32 s28, $0x1;
	[dreg:$0x2] =	wrdreg s3  }
0x21: {  	[dreg:$0x3] =	wrdreg s5  }
0x22: {  	[dreg:$0x4] =	wrdreg $0xC0  }
0x23: {  	_ =	task [dreg:s7], $0x5FFFF  }
0x24: {  	[dreg:$0x1] =	wrdreg $0xFFFFFFFF  }
0x25: {  	[dreg:$0x0] =	wrdreg $0x60  }
0x26: {  	[dreg:$0x2] =	wrdreg s25  }
0x27: {  	[dreg:$0x3] =	wrdreg s2  }
0x28: {  	[dreg:$0x4] =	wrdreg $0x9  }
0x29: {  	_ =	task.clear_ibuf [dreg:s7], $0x5FFFF;
	_ =	strace $0x90000049  }
0x2a: {  	s29 =	simm.s32 $0x9;
	_ =	strace $0x8000004B  }
0x2b: {  	_ =	swait.ge [sflag:s29], $0x1  }
0x2c: {  	[sflag:s29] =	ssyncadd.s32 $0xFFFFFFFF  }
0x2d: {  	_ =	strace $0x9000004B  }
0x2e: {  	_ =	sfence  }
0x2f: {  	s30 =	sld [smem:$0x0];
	_ =	sdelay $0x2  }
0x30: {  	s31 =	sshll.u32 s1, $0xD;
	s1 =	sshrl.u32 s1, $0x2  }
0x31: {  	s3 =	sand.u32 $0x4000, s31;
	s1 =	sadd.s32 s1, s30  }
0x32: {  	s0 =	sor.u32 s3, s0;
	s1 =	sshll.u32 s1, $0x11  }
0x33: {  	s0 =	sor.u32 s1, s0  }
0x34: {  	s0 =	sadd.s32 $0x8F2B, s0  }
0x35: {  	[sflag:s0] =	ssyncadd.remote.s32 $0x1  }
0x36: {  	_ =	sfence.sel $0xFFFF  }
0x37: {  	[dreg:$0x0] =	wrdreg $0xFFFFFFFF;
	(pc) =	sbr.abs _section_cstart, $3  }
0x38: {  	[dreg:$0x1] =	wrdreg $0xFFFFFFFF  }
0x39: {  	_ =	task.clear_ibuf [dreg:s7], $0x2FFFF;
	_ =	strace $0x9FFFFFFF  }
0x3a: {  	(tm) =	ssettm $0x7FFFFFFF  }
0x3b: {  	_ =	shalt  }
tec
execute0_lowered:
.L_overlay_start_1:
0x0: {  	(tag) =	ssettag $0x1  }
0x1: {  	s0 =	srdreg.scid  }
0x2: {  	s1 =	sshll.u32 s0, $0x4  }
0x3: {  	s0 =	stileid.u32;
	s1 =	sand.u32 $0x10, s1  }
0x4: {  	s1 =	sor.u32 s0, s1  }
0x5: {  	s6 =	rddreg [dreg:$0x0];
	s4 =	simm.s32 $0x1;
	s2 =	sshll.u32 s1, $0x7  }
0x6: {  	s7 =	simm.s32 $0x2;
	s12 =	simm.s32 $0x0;
	s1 =	ssub.s32 $0x1000, s2  }
0x7: {  	s8 =	simm.s32 $0x8000;
	s13 =	simm.s32 $0x0;
	s3 =	sand.u32 $0xF80, s1  }
0x8: {  	s9 =	simm.s32 $0x0;
	s5 =	sshrl.u32 s1, $0xC;
	p0 =	sne.s32 s3, $0x0  }
.Ltmp0:
0x9: {  	s1 =	rddreg [dreg:$0x2];
	s4 =	simm.s32 @!p0 $0x0;
	(pc) =	sbr.rel .LBB1_1-.Ltmp0, $4  }
0xa: {  	s11 =	simm.s32 $0x0;
	s3 =	rddreg [dreg:$0x1];
	s5 =	sadd.s32 s4, s5  }
0xb: {  	_ =	strace $0x8000004A;
	s4 =	simm.s32 $0x1;
	s5 =	smul.u32 $0xC8, s5  }
0xc: {  	s6 =	sadd.s32 $0xA00, s6;
	s10 =	smov.u32 s2;
	[sflag:s4] =	ssyncpa.u1 $0x0  }
0xd: {  	p0 =	por $0x0, $0x0;
	[sflag:s7] =	ssyncpa.u1 $0x0;
	s7 =	sor.u32 $0x1, s5  }
.LBB1_4:
0xe: {  	s16 =	sshll.u32 s13, $0x3;
	s17 =	sand.u32 $0x78, s13  }
0xf: {  	s30 =	sand.u32 $0x7E00, s13;
	s12 =	sshll.u32 s12, $0xF;
	s16 =	sand.u32 $0xC00, s16  }
0x10: {  	[tilespmem:s15+$0x810 ss:$0x81] =	vst.msk $0xffff, v2;
	s31 =	sand.u32 $0x7, s13;
	s16 =	sor.u32 s17, s16;
	s17 =	sadd.s32 s3, s30  }
0x11: {  	[tilespmem:s15+$0x1020 ss:$0x81] =	vst.msk $0xffff, v0;
	s13 =	sshll.u32 s31, $0x12;
	s12 =	sadd.s32 s12, s17;
	s16 =	sshrl.u32 s16, $0x3  }
0x12: {  	[tilespmem:s15+$0x0 ss:$0x81] =	vst.msk $0xffff, v1;
	s13 =	sor.u32 $0x400, s13;
	s12 =	sadd.s32 s16, s12  }
0x13: {  	[hbm4b:s12+s13] =	stream.strided.scatter [tilespmem:s14], [sflag:$0x2], $0x2000, s8, s13, $0x20;
	[tilespmem:$0x8080] =	vst v63  }
.LBB1_5:
0x14: {  	s14 =	sadd.s32 $0x1, s9  }
0x15: {  	s12 =	sadd.s32 $0x1000, s10;
	s16 =	smov.u32 s10;
	p2 =	sgt.s32 s14, $0xC7  }
0x16: {  	s16 =	smov.u32 @p2 s12  }
0x17: {  	s14 =	simm.s32 @p2 $0x0;
	p2 =	sgt.s32 s16, $0xFFF  }
0x18: {  	s16 =	smov.u32 @p2 s2;
	p2 =	sne.s32 s11, s7  }
.Ltmp1:
0x19: {  	p1 =	slt.u32 s11, $0x2;
	(pc) =	sbr.rel @!p2 .LBB1_6-.Ltmp1, $4  }
0x1a: {  	s15 =	simm.s32 @!p1 $0x2  }
0x1b: {  	s13 =	smov.u32 s10;
	p0 =	por !p0, !p0;
	_ =	swait.ge @!p1 [sflag:s15], $0x2000  }
0x1c: {  	s12 =	smov.u32 s9;
	[sflag:s15] =	ssyncset.done @!p1 $0x0;
	s9 =	smov.u32 s14  }
0x1d: {  	s11 =	sadd.s32 $0x1, s11;
	[sflag:s15] =	ssyncadd.s32 @!p1 $0xFFFFE000;
	s10 =	smov.u32 s16  }
.LBB1_1:
0x1e: {  	p1 =	sge.u32 s11, s5  }
0x1f: {  	s14 =	sand.u32 @!p1 $0x1FFFFFF, s9  }
0x20: {  	s15 =	smulhi.u32 @!p1 $0x147AE15, s14;
	_ =	sdelay $0x1  }
0x21: {  	s15 =	smul.u32 @!p1 $0xC8, s15  }
0x22: {  	s16 =	sxor.u32 @!p1 $0xFFFFFFFF, s11;
	s17 =	smul.u32 @!p1 $0xC80, s10  }
0x23: {  	s31 =	sadd.s32 $0xFFFFFFFF, s11;
	s16 =	sshll.u32 @!p1 s16, $0xD;
	s14 =	ssub.s32 @!p1 s14, s15  }
0x24: {  	s15 =	sand.u32 @!p1 $0x2000, s16;
	s16 =	sadd.s32 @!p1 s6, s17;
	s14 =	sshll.u32 @!p1 s14, $0x4  }
0x25: {  	s17 =	simm.s32 @!p1 $0x6400;
	s14 =	sadd.s32 @!p1 s14, s16;
	s16 =	simm.s32 @!p1 $0x40  }
0x26: {  	[tilespmem:s15], [sflag:$0x1] =	stream.strided.gather @!p1 [hbm4b:s14+s16], $0x2000, s17, s16, $0x38;
	[tilespmem:$0x8080] =	vst v63  }
0x27: {  	p1 =	sge.u32 s31, s5  }
.Ltmp2:
0x28: {  	_ = 	snop;
	(pc) =	sbr.rel @p1 .LBB1_5-.Ltmp2, $1  }
0x29: {  	_ =	sdelay $0x3  }
0x2a: {  	s14 =	simm.s32 $0x1  }
0x2b: {  	_ =	swait.ge [sflag:s4], $0x2000;
	s14 =	simm.s32 @!p0 $0x0  }
0x2c: {  	[sflag:s4] =	ssyncset.done $0x0;
	s15 =	sshll.u32 s14, $0xD  }
0x2d: {  	[sflag:s4] =	ssyncadd.s32 $0xFFFFE000;
	s18 =	sor.u32 $0x20, s15  }
0x2e: {  	s14 =	smul.u32 $0x8100, s14;
	v3 =	vld [tilespmem:s18+$0x10]  }
0x2f: {  	s30 =	sand.u32 $0x1, s11;
	v2 =	vld [tilespmem:s18+$0xFFFFFFF0]  }
0x30: {  	s15 =	smul.u32 $0x8100, s30;
	s14 =	sshrl.u32 s14, $0x2;
	v0 =	vld [tilespmem:s18+$0x0]  }
0x31: {  	v1 =	vld [tilespmem:s18+$0xFFFFFFE0];
	s16 =	sor.u32 $0x4000, s14  }
0x32: {  	s31 =	sshrl.u32 s15, $0x2;
	s15 =	sadd.s32 $0x0, s16  }
0x33: {  	s17 =	simm.s32 $0x4;
	s18 =	sadd.s32 $0x40, s18;
	s14 =	sor.u32 $0x4000, s31;
	[tilespmem:s15+$0x1830 ss:$0x81] =	vst.msk $0xffff, v3  }
.LBB1_3:
0x34: {  	v3 =	vld [tilespmem:s18+$0x10];
	p1 =	sne.s32 s17, $0x1FC;
	[tilespmem:s15+$0x810 ss:$0x81] =	vst.msk $0xffff, v2;
	s19 =	smov.u32 s17;
	s17 =	sadd.s32 $0x4, s17  }
.Ltmp3:
0x35: {  	v2 =	vld [tilespmem:s18+$0xFFFFFFF0];
	[tilespmem:s15+$0x1020 ss:$0x81] =	vst.msk $0xffff, v0;
	(pc) =	sbr.rel @p1 .LBB1_3-.Ltmp3, $4  }
0x36: {  	v0 =	vld [tilespmem:s18+$0x0];
	[tilespmem:s15+$0x0 ss:$0x81] =	vst.msk $0xffff, v1  }
0x37: {  	s15 =	sshra.s32 s19, $0x2;
	v1 =	vld [tilespmem:s18+$0xFFFFFFE0]  }
0x38: {  	s15 =	sadd.s32 s15, s16  }
0x39: {  	s18 =	sadd.s32 $0x40, s18;
	[tilespmem:s15+$0x1830 ss:$0x81] =	vst.msk $0xffff, v3  }
.Ltmp4:
0x3a: {  	_ = 	snop;
	(pc) =	sbr.rel .LBB1_4-.Ltmp4, $1  }
0x3b: {  	_ =	sdelay $0x3  }
.LBB1_6:
0x3c: {  	_ =	sfence.sel $0x180000  }
0x3d: {  	s2 =	simm.s32 $0x1;
	[bflag:$0x0] =	sbarrier.arrive $0xFFFF  }
0x3e: {  	s31 =	simm.s32 $0x2;
	[sflag:s2] =	ssyncpa.u1 $0x1  }
0x3f: {  	[sflag:s31] =	ssyncpa.u1 $0x1  }
0x40: {  	p0 =	sne.s32 s0, $0x0;
	_ =	strace $0x9000004A  }
0x41: {  	s0 =	sadd.s32 @!p0 $0x100000, s1;
	[bflag:$0x2] =	sbarrier.arrive $0xFFFF  }
0x42: {  	[sflag:s0] =	ssyncadd.tile.s32 @!p0 $0x1;
	_ =	shalt  }
.Lfunc_end1:
_tile_overlayer_lowered:
.L_overlay_start_2:
0x43: {  	(tag) =	ssettag $0x2  }
0x44: {  	s0 =	rddreg [dreg:$0x0];
	s2 =	stileid.u32  }
0x45: {  	s1 =	rddreg [dreg:$0x1];
	p0 =	sne.s32 s2, $0x0  }
0x46: {  	s3 =	rddreg [dreg:$0x2];
	[bflag:$0x3] =	sbarrier.arrive $0xFFFF;
	s2 =	simm.s32 @!p0 $0x1C01  }
0x47: {  	[timem:s3], [sflag:s2] =	dma.local @!p0 [hbm:s0], s1  }
0x48: {  	s0 =	simm.s32 @!p0 $0x1  }
0x49: {  	_ =	swait.ge @!p0 [sflag:s0], s1  }
0x4a: {  	s1 =	ssub.s32 @!p0 $0x0, s1;
	[sflag:s0] =	ssyncset.done @!p0 $0x0  }
0x4b: {  	[sflag:s0] =	ssyncadd.s32 @!p0 s1  }
0x4c: {  	[bflag:$0x3] =	sbarrier.arrive $0xFFFF  }
0x4d: {  	_ =	shalt  }

</sc_bundles>
